<compile_context>
chip_gen: v7x
topology: tpu7x:2x2x1
jax: 0.10.2.dev20260603
libtpu: 0.0.44.dev20260713+nightly
codegen_flags: <defaults>
</compile_context>

<pallas_src>
import functools

import jax
import jax.numpy as jnp
from jax import lax
from jax.experimental import pallas as pl
from jax.experimental.pallas import tpu as pltpu
from jax.experimental.pallas import tpu_sc as plsc

VOCAB = 1000
EMBED = 128
UNITS = 512
B = 64
T = 128
NTOK = B * T
UNROLL = 8

_SC_CHUNK = 128


def _make_sc_gather(n_rows: int, dim: int):
    info = plsc.get_sparse_core_info()
    nw = info.num_cores * info.num_subcores
    rows_per_w = n_rows // nw
    n_chunks = rows_per_w // _SC_CHUNK
    mesh = plsc.VectorSubcoreMesh(core_axis_name="c", subcore_axis_name="s")

    @functools.partial(
        pl.kernel,
        mesh=mesh,
        out_type=jax.ShapeDtypeStruct((n_rows, dim), jnp.float32),
        scratch_types=[
            pltpu.VMEM((_SC_CHUNK,), jnp.int32),
            pltpu.VMEM((_SC_CHUNK, dim), jnp.float32),
            pltpu.SemaphoreType.DMA,
        ],
    )
    def sc_gather(table_hbm, idx_hbm, out_hbm, idx_v, rows_v, sem):
        wid = lax.axis_index("s") * info.num_cores + lax.axis_index("c")
        base = wid * rows_per_w
        for ch in range(n_chunks):
            off = base + ch * _SC_CHUNK
            pltpu.sync_copy(idx_hbm.at[pl.ds(off, _SC_CHUNK)], idx_v)
            pltpu.async_copy(table_hbm.at[idx_v], rows_v, sem).wait()
            pltpu.sync_copy(rows_v, out_hbm.at[pl.ds(off, _SC_CHUNK)])

    return sc_gather


def _fused_step(
    xe_ref, k_ref, r_ref, b_ref, wd_ref, bd_ref, out_ref, h_ref, c_ref, hs_ref
):
    i = pl.program_id(0)

    @pl.when(i == 0)
    def _():
        h_ref[...] = jnp.zeros_like(h_ref)
        c_ref[...] = jnp.zeros_like(c_ref)

    xz_all = jnp.dot(
        xe_ref[...].reshape(UNROLL * B, EMBED),
        k_ref[...],
        preferred_element_type=jnp.float32,
    ) + b_ref[...]
    for j in range(UNROLL):
        z = xz_all[j * B : (j + 1) * B] + jnp.dot(
            h_ref[...], r_ref[...], preferred_element_type=jnp.float32
        )
        ig = jax.nn.sigmoid(z[:, :UNITS])
        fg = jax.nn.sigmoid(z[:, UNITS : 2 * UNITS])
        gg = jnp.tanh(z[:, 2 * UNITS : 3 * UNITS])
        og = jax.nn.sigmoid(z[:, 3 * UNITS :])
        c = fg * c_ref[...] + ig * gg
        h_new = og * jnp.tanh(c)
        c_ref[...] = c
        h_ref[...] = h_new
        hs_ref[pl.ds(j * B, B), :] = h_new

    out_ref[...] = (
        jnp.dot(
            hs_ref[...],
            wd_ref[...],
            preferred_element_type=jnp.float32,
        )
        + bd_ref[...]
    )


def _lstm_fused(x_emb, kernel_w, rec_kernel, bias2d, W_dense, bd2d, *, interpret=False):
    return pl.pallas_call(
        _fused_step,
        grid=(T // UNROLL,),
        in_specs=[
            pl.BlockSpec((UNROLL, B, EMBED), lambda i: (i, 0, 0)),
            pl.BlockSpec((EMBED, 4 * UNITS), lambda i: (0, 0)),
            pl.BlockSpec((UNITS, 4 * UNITS), lambda i: (0, 0)),
            pl.BlockSpec((1, 4 * UNITS), lambda i: (0, 0)),
            pl.BlockSpec((UNITS, VOCAB), lambda i: (0, 0)),
            pl.BlockSpec((1, VOCAB), lambda i: (0, 0)),
        ],
        out_specs=pl.BlockSpec((UNROLL * B, VOCAB), lambda i: (i, 0)),
        out_shape=jax.ShapeDtypeStruct((NTOK, VOCAB), jnp.float32),
        scratch_shapes=[
            pltpu.VMEM((B, UNITS), jnp.float32),
            pltpu.VMEM((B, UNITS), jnp.float32),
            pltpu.VMEM((UNROLL * B, UNITS), jnp.float32),
        ],
        interpret=interpret,
    )(x_emb, kernel_w, rec_kernel, bias2d, W_dense, bd2d)


def kernel(inputs, W_emb, kernel, rec_kernel, bias, W_dense, b_dense):
    idx = inputs.T.reshape(-1).astype(jnp.int32)
    x_emb = _make_sc_gather(NTOK, EMBED)(W_emb, idx)
    logits = _lstm_fused(
        x_emb.reshape(T, B, EMBED),
        kernel,
        rec_kernel,
        bias.reshape(1, 4 * UNITS),
        W_dense,
        b_dense.reshape(1, VOCAB),
    )
    return logits.reshape(T, B, VOCAB).transpose(1, 0, 2)

# --- scband reference (transcript-rebuilt; emitter-appended) ---
"""Pipeline reference for scband-lstm-rnn-30064771072203 (READ-ONLY COPY).

The authoritative reference and input builder live on the scoring server;
editing this copy changes nothing except your own understanding.
"""

import jax, jax.numpy as jnp
import numpy as np

VOCAB = 1000
EMBED = 128
UNITS = 512
B = 64
T = 128


def setup_inputs(seed: int = 0) -> dict:
    key = jax.random.key(seed)
    ks = jax.random.split(key, 6)
    inputs = jax.random.randint(ks[0], (B, T), 0, VOCAB, dtype=jnp.int32)
    W_emb = jax.random.normal(ks[1], (VOCAB, EMBED), dtype=jnp.float32) * 0.05
    kernel = jax.random.normal(ks[2], (EMBED, 4 * UNITS), dtype=jnp.float32) * 0.05
    rec_kernel = jax.random.normal(ks[3], (UNITS, 4 * UNITS), dtype=jnp.float32) * 0.05
    # unit_forget_bias=True: forget-gate bias initialized to ones (keras gate order i, f, c, o)
    bias = jnp.concatenate([
        jnp.zeros((UNITS,), dtype=jnp.float32),
        jnp.ones((UNITS,), dtype=jnp.float32),
        jnp.zeros((2 * UNITS,), dtype=jnp.float32),
    ])
    W_dense = jax.random.normal(ks[4], (UNITS, VOCAB), dtype=jnp.float32) * 0.05
    b_dense = jnp.zeros((VOCAB,), dtype=jnp.float32)
    return {
        "inputs": inputs,
        "W_emb": W_emb,
        "kernel": kernel,
        "rec_kernel": rec_kernel,
        "bias": bias,
        "W_dense": W_dense,
        "b_dense": b_dense,
    }


def _lstm(x_emb, kernel, rec_kernel, bias):
    # x_emb: [B, T, EMBED]. Keras LSTM: activation=tanh, recurrent_activation=sigmoid,
    # gate order i, f, c, o; zero initial state (get_initial_state).
    b = x_emb.shape[0]
    h0 = jnp.zeros((b, UNITS), dtype=x_emb.dtype)
    c0 = jnp.zeros((b, UNITS), dtype=x_emb.dtype)
    xs = jnp.transpose(x_emb, (1, 0, 2))  # [T, B, EMBED]

    def step(carry, x_t):
        h, c = carry
        z = x_t @ kernel + h @ rec_kernel + bias
        zi, zf, zg, zo = jnp.split(z, 4, axis=-1)
        i = jax.nn.sigmoid(zi)
        f = jax.nn.sigmoid(zf)
        g = jnp.tanh(zg)
        o = jax.nn.sigmoid(zo)
        c_new = f * c + i * g
        h_new = o * jnp.tanh(c_new)
        return (h_new, c_new), h_new

    (_, _), hs = jax.lax.scan(step, (h0, c0), xs)
    return jnp.transpose(hs, (1, 0, 2))  # [B, T, UNITS]


def reference(inputs, W_emb, kernel, rec_kernel, bias, W_dense, b_dense):
    # Embedding lookup
    x = jnp.take(W_emb, inputs, axis=0)  # [B, T, EMBED]
    # LSTM with return_sequences=True (return_state=False path in call)
    h = _lstm(x, kernel, rec_kernel, bias)  # [B, T, UNITS]
    # Dense to vocab logits
    logits = h @ W_dense + b_dense  # [B, T, VOCAB]
    return logits

if __name__ == "__main__":
    import jax
    _d = setup_inputs()
    print(jax.jit(kernel)(*tuple(_d.values())))

</pallas_src>

<mosaic_0001>
#map = affine_map<(d0, d1) -> (0, 0)>
#map1 = affine_map<(d0, d1) -> (0)>
module attributes {stable_mosaic.version = 14 : i64} {
  func.func @sc_gather(%arg0: i32, %arg1: i32, %arg2: memref<1000x128xf32, #tpu.memory_space<hbm>>, %arg3: memref<8192xi32, #tpu.memory_space<hbm>>, %arg4: memref<8192x128xf32, #tpu.memory_space<hbm>>, %arg5: memref<128xi32, #tpu.memory_space<vmem>>, %arg6: memref<128x128xf32, #tpu.memory_space<vmem>>, %arg7: memref<!tpu.dma_semaphore, #tpu.memory_space<semaphore_mem>>) attributes {dimension_semantics = [#tpu.dimension_semantics<core_parallel>, #tpu.dimension_semantics<subcore_parallel>], iteration_bounds = array<i64: 2, 16>, scalar_prefetch = 0 : i64, scratch_operands = 3 : i64, tpu.core_type = #tpu.core_type<sc_vector_subcore>, window_params = [{transform_indices = #map}, {transform_indices = #map1}, {transform_indices = #map}]} {
    %mul3A = arith.constant 2 : i32
    %mul3A_0 = arith.muli %arg1, %mul3A : i32
    %add3A = arith.addi %mul3A_0, %arg0 : i32
    %mul3A_1 = arith.constant 256 : i32
    %mul3A_2 = arith.muli %add3A, %mul3A_1 : i32
    %add3A_3 = arith.constant 0 : i32
    %add3A_4 = arith.addi %mul3A_2, %add3A_3 : i32
    "tpu.region"() ({
      %run_scoped3A = tpu.sem_alloc : memref<!tpu.dma_semaphore, #tpu.memory_space<semaphore_mem>>
      %dma_start3A_17 = tpu.memref_slice %arg3[%add3A_4] : memref<8192xi32, #tpu.memory_space<hbm>> -> memref<128xi32, #tpu.memory_space<hbm>>
      %dma_start3A_18 = tpu.memref_slice %arg3[%add3A_4] : memref<8192xi32, #tpu.memory_space<hbm>> -> memref<128xi32, #tpu.memory_space<hbm>>
      tpu.enqueue_dma source(%dma_start3A_18 : memref<128xi32, #tpu.memory_space<hbm>>) target(%arg5 : memref<128xi32, #tpu.memory_space<vmem>>) target_semaphore(%run_scoped3A : memref<!tpu.dma_semaphore, #tpu.memory_space<semaphore_mem>>)
      %dma_wait3A_19 = tpu.memref_slice %arg3[%add3A_4] : memref<8192xi32, #tpu.memory_space<hbm>> -> memref<128xi32, #tpu.memory_space<hbm>>
      %dma_wait3A_20 = tpu.memref_slice %arg3[%add3A_4] : memref<8192xi32, #tpu.memory_space<hbm>> -> memref<128xi32, #tpu.memory_space<hbm>>
      tpu.wait_dma2 semaphore(%run_scoped3A : memref<!tpu.dma_semaphore, #tpu.memory_space<semaphore_mem>>) src(%dma_wait3A_20 : memref<128xi32, #tpu.memory_space<hbm>>) dst(%arg5 : memref<128xi32, #tpu.memory_space<vmem>>)
      tpu.yield
    }) : () -> ()
    %dma_start3A = arith.constant 0 : i32
    %dma_start3A_5 = arith.constant 0 : i32
    %dma_start3A_6 = tpu.memref_slice %arg2[%dma_start3A, %dma_start3A_5] : memref<1000x128xf32, #tpu.memory_space<hbm>> -> memref<1000x128xf32, #tpu.memory_space<hbm>>
    tpu.enqueue_indirect_dma source(%dma_start3A_6 : memref<1000x128xf32, #tpu.memory_space<hbm>>) target(%arg6 : memref<128x128xf32, #tpu.memory_space<vmem>>) offsets(%arg5 : memref<128xi32, #tpu.memory_space<vmem>>) semaphore(%arg7 : memref<!tpu.dma_semaphore, #tpu.memory_space<semaphore_mem>>)
    %dma_wait3A = arith.constant 0 : i32
    %dma_wait3A_7 = arith.constant 0 : i32
    %dma_wait3A_8 = tpu.memref_slice %arg2[%dma_wait3A, %dma_wait3A_7] : memref<1000x128xf32, #tpu.memory_space<hbm>> -> memref<1000x128xf32, #tpu.memory_space<hbm>>
    tpu.wait_indirect_dma semaphore(%arg7 : memref<!tpu.dma_semaphore, #tpu.memory_space<semaphore_mem>>) src(%dma_wait3A_8 : memref<1000x128xf32, #tpu.memory_space<hbm>>) dst(%arg6 : memref<128x128xf32, #tpu.memory_space<vmem>>)
    "tpu.region"() ({
      %run_scoped3A = tpu.sem_alloc : memref<!tpu.dma_semaphore, #tpu.memory_space<semaphore_mem>>
      %dma_start3A_17 = arith.constant 0 : i32
      %dma_start3A_18 = tpu.memref_slice %arg4[%add3A_4, %dma_start3A_17] : memref<8192x128xf32, #tpu.memory_space<hbm>> -> memref<128x128xf32, #tpu.memory_space<hbm>>
      %dma_start3A_19 = arith.constant 0 : i32
      %dma_start3A_20 = tpu.memref_slice %arg4[%add3A_4, %dma_start3A_19] : memref<8192x128xf32, #tpu.memory_space<hbm>> -> memref<128x128xf32, #tpu.memory_space<hbm>>
      tpu.enqueue_dma source(%arg6 : memref<128x128xf32, #tpu.memory_space<vmem>>) target(%dma_start3A_20 : memref<128x128xf32, #tpu.memory_space<hbm>>) target_semaphore(%run_scoped3A : memref<!tpu.dma_semaphore, #tpu.memory_space<semaphore_mem>>)
      %dma_wait3A_21 = arith.constant 0 : i32
      %dma_wait3A_22 = tpu.memref_slice %arg4[%add3A_4, %dma_wait3A_21] : memref<8192x128xf32, #tpu.memory_space<hbm>> -> memref<128x128xf32, #tpu.memory_space<hbm>>
      %dma_wait3A_23 = arith.constant 0 : i32
      %dma_wait3A_24 = tpu.memref_slice %arg4[%add3A_4, %dma_wait3A_23] : memref<8192x128xf32, #tpu.memory_space<hbm>> -> memref<128x128xf32, #tpu.memory_space<hbm>>
      tpu.wait_dma2 semaphore(%run_scoped3A : memref<!tpu.dma_semaphore, #tpu.memory_space<semaphore_mem>>) src(%arg6 : memref<128x128xf32, #tpu.memory_space<vmem>>) dst(%dma_wait3A_24 : memref<128x128xf32, #tpu.memory_space<hbm>>)
      tpu.yield
    }) : () -> ()
    %add3A_9 = arith.constant 128 : i32
    %add3A_10 = arith.addi %mul3A_2, %add3A_9 : i32
    "tpu.region"() ({
      %run_scoped3A = tpu.sem_alloc : memref<!tpu.dma_semaphore, #tpu.memory_space<semaphore_mem>>
      %dma_start3A_17 = tpu.memref_slice %arg3[%add3A_10] : memref<8192xi32, #tpu.memory_space<hbm>> -> memref<128xi32, #tpu.memory_space<hbm>>
      %dma_start3A_18 = tpu.memref_slice %arg3[%add3A_10] : memref<8192xi32, #tpu.memory_space<hbm>> -> memref<128xi32, #tpu.memory_space<hbm>>
      tpu.enqueue_dma source(%dma_start3A_18 : memref<128xi32, #tpu.memory_space<hbm>>) target(%arg5 : memref<128xi32, #tpu.memory_space<vmem>>) target_semaphore(%run_scoped3A : memref<!tpu.dma_semaphore, #tpu.memory_space<semaphore_mem>>)
      %dma_wait3A_19 = tpu.memref_slice %arg3[%add3A_10] : memref<8192xi32, #tpu.memory_space<hbm>> -> memref<128xi32, #tpu.memory_space<hbm>>
      %dma_wait3A_20 = tpu.memref_slice %arg3[%add3A_10] : memref<8192xi32, #tpu.memory_space<hbm>> -> memref<128xi32, #tpu.memory_space<hbm>>
      tpu.wait_dma2 semaphore(%run_scoped3A : memref<!tpu.dma_semaphore, #tpu.memory_space<semaphore_mem>>) src(%dma_wait3A_20 : memref<128xi32, #tpu.memory_space<hbm>>) dst(%arg5 : memref<128xi32, #tpu.memory_space<vmem>>)
      tpu.yield
    }) : () -> ()
    %dma_start3A_11 = arith.constant 0 : i32
    %dma_start3A_12 = arith.constant 0 : i32
    %dma_start3A_13 = tpu.memref_slice %arg2[%dma_start3A_11, %dma_start3A_12] : memref<1000x128xf32, #tpu.memory_space<hbm>> -> memref<1000x128xf32, #tpu.memory_space<hbm>>
    tpu.enqueue_indirect_dma source(%dma_start3A_13 : memref<1000x128xf32, #tpu.memory_space<hbm>>) target(%arg6 : memref<128x128xf32, #tpu.memory_space<vmem>>) offsets(%arg5 : memref<128xi32, #tpu.memory_space<vmem>>) semaphore(%arg7 : memref<!tpu.dma_semaphore, #tpu.memory_space<semaphore_mem>>)
    %dma_wait3A_14 = arith.constant 0 : i32
    %dma_wait3A_15 = arith.constant 0 : i32
    %dma_wait3A_16 = tpu.memref_slice %arg2[%dma_wait3A_14, %dma_wait3A_15] : memref<1000x128xf32, #tpu.memory_space<hbm>> -> memref<1000x128xf32, #tpu.memory_space<hbm>>
    tpu.wait_indirect_dma semaphore(%arg7 : memref<!tpu.dma_semaphore, #tpu.memory_space<semaphore_mem>>) src(%dma_wait3A_16 : memref<1000x128xf32, #tpu.memory_space<hbm>>) dst(%arg6 : memref<128x128xf32, #tpu.memory_space<vmem>>)
    "tpu.region"() ({
      %run_scoped3A = tpu.sem_alloc : memref<!tpu.dma_semaphore, #tpu.memory_space<semaphore_mem>>
      %dma_start3A_17 = arith.constant 0 : i32
      %dma_start3A_18 = tpu.memref_slice %arg4[%add3A_10, %dma_start3A_17] : memref<8192x128xf32, #tpu.memory_space<hbm>> -> memref<128x128xf32, #tpu.memory_space<hbm>>
      %dma_start3A_19 = arith.constant 0 : i32
      %dma_start3A_20 = tpu.memref_slice %arg4[%add3A_10, %dma_start3A_19] : memref<8192x128xf32, #tpu.memory_space<hbm>> -> memref<128x128xf32, #tpu.memory_space<hbm>>
      tpu.enqueue_dma source(%arg6 : memref<128x128xf32, #tpu.memory_space<vmem>>) target(%dma_start3A_20 : memref<128x128xf32, #tpu.memory_space<hbm>>) target_semaphore(%run_scoped3A : memref<!tpu.dma_semaphore, #tpu.memory_space<semaphore_mem>>)
      %dma_wait3A_21 = arith.constant 0 : i32
      %dma_wait3A_22 = tpu.memref_slice %arg4[%add3A_10, %dma_wait3A_21] : memref<8192x128xf32, #tpu.memory_space<hbm>> -> memref<128x128xf32, #tpu.memory_space<hbm>>
      %dma_wait3A_23 = arith.constant 0 : i32
      %dma_wait3A_24 = tpu.memref_slice %arg4[%add3A_10, %dma_wait3A_23] : memref<8192x128xf32, #tpu.memory_space<hbm>> -> memref<128x128xf32, #tpu.memory_space<hbm>>
      tpu.wait_dma2 semaphore(%run_scoped3A : memref<!tpu.dma_semaphore, #tpu.memory_space<semaphore_mem>>) src(%arg6 : memref<128x128xf32, #tpu.memory_space<vmem>>) dst(%dma_wait3A_24 : memref<128x128xf32, #tpu.memory_space<hbm>>)
      tpu.yield
    }) : () -> ()
    return
  }
}

module attributes {stable_mosaic.version = 14 : i64} {
  func.func @_fused_step(%arg0: i32, %arg1: memref<8x64x128xf32, #tpu.memory_space<vmem>>, %arg2: memref<128x2048xf32, #tpu.memory_space<vmem>>, %arg3: memref<512x2048xf32, #tpu.memory_space<vmem>>, %arg4: memref<1x2048xf32, #tpu.memory_space<vmem>>, %arg5: memref<512x1000xf32, #tpu.memory_space<vmem>>, %arg6: memref<1x1000xf32, #tpu.memory_space<vmem>>, %arg7: memref<512x1000xf32, #tpu.memory_space<vmem>>, %arg8: memref<64x512xf32, #tpu.memory_space<vmem>>, %arg9: memref<64x512xf32, #tpu.memory_space<vmem>>, %arg10: memref<512x512xf32, #tpu.memory_space<vmem>>) attributes {dimension_semantics = [#tpu.dimension_semantics<arbitrary>], iteration_bounds = array<i64: 16>, scalar_prefetch = 0 : i64, scratch_operands = 3 : i64, tpu.core_type = #tpu.core_type<tc>, window_params = [{transform_indices = @transform_0, window_bounds = array<i64: 8, 64, 128>}, {pipeline_mode = #tpu.pipeline_mode<synchronous>, transform_indices = @transform_1, window_bounds = array<i64: 128, 2048>}, {pipeline_mode = #tpu.pipeline_mode<synchronous>, transform_indices = @transform_2, window_bounds = array<i64: 512, 2048>}, {pipeline_mode = #tpu.pipeline_mode<synchronous>, transform_indices = @transform_3, window_bounds = array<i64: 1, 2048>}, {pipeline_mode = #tpu.pipeline_mode<synchronous>, transform_indices = @transform_4, window_bounds = array<i64: 512, 1000>}, {pipeline_mode = #tpu.pipeline_mode<synchronous>, transform_indices = @transform_5, window_bounds = array<i64: 1, 1000>}, {transform_indices = @transform_6, window_bounds = array<i64: 512, 1000>}]} {
    %eq3A = arith.constant 0 : i32
    %eq3A_0 = arith.cmpi eq, %arg0, %eq3A : i32
    %convert_element_type3A = arith.extui %eq3A_0 : i1 to i32
    %cond3A = arith.constant 0 : i32
    %cond3A_1 = arith.cmpi ne, %convert_element_type3A, %cond3A : i32
    scf.if %cond3A_1 {
      %broadcast_in_dim3A = arith.constant 0.000000e+00 : f32
      %broadcast_in_dim3A_424 = vector.broadcast %broadcast_in_dim3A : f32 to vector<64x512xf32>
      %swap3A_425 = arith.constant 0 : index
      %swap3A_426 = arith.constant 0 : index
      %swap3A_427 = vector.load %arg8[%swap3A_425, %swap3A_426] : memref<64x512xf32, #tpu.memory_space<vmem>>, vector<64x512xf32>
      tpu.vector_store %arg8[%swap3A_425, %swap3A_426], %broadcast_in_dim3A_424 {strides = array<i32>} : memref<64x512xf32, #tpu.memory_space<vmem>>, vector<64x512xf32>,
      %broadcast_in_dim3A_428 = arith.constant 0.000000e+00 : f32
      %broadcast_in_dim3A_429 = vector.broadcast %broadcast_in_dim3A_428 : f32 to vector<64x512xf32>
      %swap3A_430 = arith.constant 0 : index
      %swap3A_431 = arith.constant 0 : index
      %swap3A_432 = vector.load %arg9[%swap3A_430, %swap3A_431] : memref<64x512xf32, #tpu.memory_space<vmem>>, vector<64x512xf32>
      tpu.vector_store %arg9[%swap3A_430, %swap3A_431], %broadcast_in_dim3A_429 {strides = array<i32>} : memref<64x512xf32, #tpu.memory_space<vmem>>, vector<64x512xf32>,
    } else {
    }
    %get3A = arith.constant 0 : index
    %get3A_2 = arith.constant 0 : index
    %get3A_3 = arith.constant 0 : index
    %get3A_4 = vector.load %arg1[%get3A, %get3A_2, %get3A_3] : memref<8x64x128xf32, #tpu.memory_space<vmem>>, vector<8x64x128xf32>
    %reshape3A = vector.shape_cast %get3A_4 : vector<8x64x128xf32> to vector<512x128xf32>
    %get3A_5 = arith.constant 0 : index
    %get3A_6 = arith.constant 0 : index
    %get3A_7 = vector.load %arg2[%get3A_5, %get3A_6] : memref<128x2048xf32, #tpu.memory_space<vmem>>, vector<128x2048xf32>
    %dot_general3A = arith.constant dense<0.000000e+00> : vector<512x2048xf32>
    %dot_general3A_8 = tpu.matmul %reshape3A, %get3A_7, %dot_general3A {dimension_numbers = #tpu.dot_dimension_numbers<[1], [0], [0], [1], [0, 0, 1, 1], [], []>, transpose_lhs_hint = false} : vector<512x128xf32>, vector<128x2048xf32>, vector<512x2048xf32> -> vector<512x2048xf32>
    %get3A_9 = arith.constant 0 : index
    %get3A_10 = arith.constant 0 : index
    %get3A_11 = vector.load %arg4[%get3A_9, %get3A_10] : memref<1x2048xf32, #tpu.memory_space<vmem>>, vector<1x2048xf32>
    %add3A = vector.broadcast %get3A_11 : vector<1x2048xf32> to vector<512x2048xf32>
    %add3A_12 = arith.addf %dot_general3A_8, %add3A : vector<512x2048xf32>
    %slice3A = vector.extract_strided_slice %add3A_12 {offsets = [0, 0], sizes = [64, 2048], strides = [1, 1]} : vector<512x2048xf32> to vector<64x2048xf32>
    %get3A_13 = arith.constant 0 : index
    %get3A_14 = arith.constant 0 : index
    %get3A_15 = vector.load %arg8[%get3A_13, %get3A_14] : memref<64x512xf32, #tpu.memory_space<vmem>>, vector<64x512xf32>
    %get3A_16 = arith.constant 0 : index
    %get3A_17 = arith.constant 0 : index
    %get3A_18 = vector.load %arg3[%get3A_16, %get3A_17] : memref<512x2048xf32, #tpu.memory_space<vmem>>, vector<512x2048xf32>
    %dot_general3A_19 = arith.constant dense<0.000000e+00> : vector<64x2048xf32>
    %dot_general3A_20 = tpu.matmul %get3A_15, %get3A_18, %dot_general3A_19 {dimension_numbers = #tpu.dot_dimension_numbers<[1], [0], [0], [1], [0, 0, 1, 1], [], []>, transpose_lhs_hint = false} : vector<64x512xf32>, vector<512x2048xf32>, vector<64x2048xf32> -> vector<64x2048xf32>
    %add3A_21 = arith.addf %slice3A, %dot_general3A_20 : vector<64x2048xf32>
    %slice3A_22 = vector.extract_strided_slice %add3A_21 {offsets = [0, 0], sizes = [64, 512], strides = [1, 1]} : vector<64x2048xf32> to vector<64x512xf32>
    %logistic3A = arith.negf %slice3A_22 : vector<64x512xf32>
    %logistic3A_23 = math.exp %logistic3A : vector<64x512xf32>
    %logistic3A_24 = arith.constant 1.000000e+00 : f32
    %logistic3A_25 = vector.broadcast %logistic3A_24 : f32 to vector<64x512xf32>
    %logistic3A_26 = arith.addf %logistic3A_25, %logistic3A_23 : vector<64x512xf32>
    %logistic3A_27 = arith.divf %logistic3A_25, %logistic3A_26 : vector<64x512xf32>
    %slice3A_28 = vector.extract_strided_slice %add3A_21 {offsets = [0, 512], sizes = [64, 512], strides = [1, 1]} : vector<64x2048xf32> to vector<64x512xf32>
    %logistic3A_29 = arith.negf %slice3A_28 : vector<64x512xf32>
    %logistic3A_30 = math.exp %logistic3A_29 : vector<64x512xf32>
    %logistic3A_31 = arith.constant 1.000000e+00 : f32
    %logistic3A_32 = vector.broadcast %logistic3A_31 : f32 to vector<64x512xf32>
    %logistic3A_33 = arith.addf %logistic3A_32, %logistic3A_30 : vector<64x512xf32>
    %logistic3A_34 = arith.divf %logistic3A_32, %logistic3A_33 : vector<64x512xf32>
    %slice3A_35 = vector.extract_strided_slice %add3A_21 {offsets = [0, 1024], sizes = [64, 512], strides = [1, 1]} : vector<64x2048xf32> to vector<64x512xf32>
    %tanh3A = math.tanh %slice3A_35 : vector<64x512xf32>
    %slice3A_36 = vector.extract_strided_slice %add3A_21 {offsets = [0, 1536], sizes = [64, 512], strides = [1, 1]} : vector<64x2048xf32> to vector<64x512xf32>
    %logistic3A_37 = arith.negf %slice3A_36 : vector<64x512xf32>
    %logistic3A_38 = math.exp %logistic3A_37 : vector<64x512xf32>
    %logistic3A_39 = arith.constant 1.000000e+00 : f32
    %logistic3A_40 = vector.broadcast %logistic3A_39 : f32 to vector<64x512xf32>
    %logistic3A_41 = arith.addf %logistic3A_40, %logistic3A_38 : vector<64x512xf32>
    %logistic3A_42 = arith.divf %logistic3A_40, %logistic3A_41 : vector<64x512xf32>
    %get3A_43 = arith.constant 0 : index
    %get3A_44 = arith.constant 0 : index
    %get3A_45 = vector.load %arg9[%get3A_43, %get3A_44] : memref<64x512xf32, #tpu.memory_space<vmem>>, vector<64x512xf32>
    %mul3A = arith.mulf %logistic3A_34, %get3A_45 : vector<64x512xf32>
    %mul3A_46 = arith.mulf %logistic3A_27, %tanh3A : vector<64x512xf32>
    %add3A_47 = arith.addf %mul3A, %mul3A_46 : vector<64x512xf32>
    %tanh3A_48 = math.tanh %add3A_47 : vector<64x512xf32>
    %mul3A_49 = arith.mulf %logistic3A_42, %tanh3A_48 : vector<64x512xf32>
    %swap3A = arith.constant 0 : index
    %swap3A_50 = arith.constant 0 : index
    %swap3A_51 = vector.load %arg9[%swap3A, %swap3A_50] : memref<64x512xf32, #tpu.memory_space<vmem>>, vector<64x512xf32>
    tpu.vector_store %arg9[%swap3A, %swap3A_50], %add3A_47 {strides = array<i32>} : memref<64x512xf32, #tpu.memory_space<vmem>>, vector<64x512xf32>,
    %swap3A_52 = arith.constant 0 : index
    %swap3A_53 = arith.constant 0 : index
    %swap3A_54 = vector.load %arg8[%swap3A_52, %swap3A_53] : memref<64x512xf32, #tpu.memory_space<vmem>>, vector<64x512xf32>
    tpu.vector_store %arg8[%swap3A_52, %swap3A_53], %mul3A_49 {strides = array<i32>} : memref<64x512xf32, #tpu.memory_space<vmem>>, vector<64x512xf32>,
    %swap3A_55 = arith.constant 0 : index
    %swap3A_56 = arith.constant 0 : index
    %swap3A_57 = vector.load %arg10[%swap3A_55, %swap3A_56] : memref<512x512xf32, #tpu.memory_space<vmem>>, vector<64x512xf32>
    tpu.vector_store %arg10[%swap3A_55, %swap3A_56], %mul3A_49 {strides = array<i32>} : memref<512x512xf32, #tpu.memory_space<vmem>>, vector<64x512xf32>,
    %slice3A_58 = vector.extract_strided_slice %add3A_12 {offsets = [64, 0], sizes = [64, 2048], strides = [1, 1]} : vector<512x2048xf32> to vector<64x2048xf32>
    %get3A_59 = arith.constant 0 : index
    %get3A_60 = arith.constant 0 : index
    %get3A_61 = vector.load %arg8[%get3A_59, %get3A_60] : memref<64x512xf32, #tpu.memory_space<vmem>>, vector<64x512xf32>
    %get3A_62 = arith.constant 0 : index
    %get3A_63 = arith.constant 0 : index
    %get3A_64 = vector.load %arg3[%get3A_62, %get3A_63] : memref<512x2048xf32, #tpu.memory_space<vmem>>, vector<512x2048xf32>
    %dot_general3A_65 = arith.constant dense<0.000000e+00> : vector<64x2048xf32>
    %dot_general3A_66 = tpu.matmul %get3A_61, %get3A_64, %dot_general3A_65 {dimension_numbers = #tpu.dot_dimension_numbers<[1], [0], [0], [1], [0, 0, 1, 1], [], []>, transpose_lhs_hint = false} : vector<64x512xf32>, vector<512x2048xf32>, vector<64x2048xf32> -> vector<64x2048xf32>
    %add3A_67 = arith.addf %slice3A_58, %dot_general3A_66 : vector<64x2048xf32>
    %slice3A_68 = vector.extract_strided_slice %add3A_67 {offsets = [0, 0], sizes = [64, 512], strides = [1, 1]} : vector<64x2048xf32> to vector<64x512xf32>
    %logistic3A_69 = arith.negf %slice3A_68 : vector<64x512xf32>
    %logistic3A_70 = math.exp %logistic3A_69 : vector<64x512xf32>
    %logistic3A_71 = arith.constant 1.000000e+00 : f32
    %logistic3A_72 = vector.broadcast %logistic3A_71 : f32 to vector<64x512xf32>
    %logistic3A_73 = arith.addf %logistic3A_72, %logistic3A_70 : vector<64x512xf32>
    %logistic3A_74 = arith.divf %logistic3A_72, %logistic3A_73 : vector<64x512xf32>
    %slice3A_75 = vector.extract_strided_slice %add3A_67 {offsets = [0, 512], sizes = [64, 512], strides = [1, 1]} : vector<64x2048xf32> to vector<64x512xf32>
    %logistic3A_76 = arith.negf %slice3A_75 : vector<64x512xf32>
    %logistic3A_77 = math.exp %logistic3A_76 : vector<64x512xf32>
    %logistic3A_78 = arith.constant 1.000000e+00 : f32
    %logistic3A_79 = vector.broadcast %logistic3A_78 : f32 to vector<64x512xf32>
    %logistic3A_80 = arith.addf %logistic3A_79, %logistic3A_77 : vector<64x512xf32>
    %logistic3A_81 = arith.divf %logistic3A_79, %logistic3A_80 : vector<64x512xf32>
    %slice3A_82 = vector.extract_strided_slice %add3A_67 {offsets = [0, 1024], sizes = [64, 512], strides = [1, 1]} : vector<64x2048xf32> to vector<64x512xf32>
    %tanh3A_83 = math.tanh %slice3A_82 : vector<64x512xf32>
    %slice3A_84 = vector.extract_strided_slice %add3A_67 {offsets = [0, 1536], sizes = [64, 512], strides = [1, 1]} : vector<64x2048xf32> to vector<64x512xf32>
    %logistic3A_85 = arith.negf %slice3A_84 : vector<64x512xf32>
    %logistic3A_86 = math.exp %logistic3A_85 : vector<64x512xf32>
    %logistic3A_87 = arith.constant 1.000000e+00 : f32
    %logistic3A_88 = vector.broadcast %logistic3A_87 : f32 to vector<64x512xf32>
    %logistic3A_89 = arith.addf %logistic3A_88, %logistic3A_86 : vector<64x512xf32>
    %logistic3A_90 = arith.divf %logistic3A_88, %logistic3A_89 : vector<64x512xf32>
    %get3A_91 = arith.constant 0 : index
    %get3A_92 = arith.constant 0 : index
    %get3A_93 = vector.load %arg9[%get3A_91, %get3A_92] : memref<64x512xf32, #tpu.memory_space<vmem>>, vector<64x512xf32>
    %mul3A_94 = arith.mulf %logistic3A_81, %get3A_93 : vector<64x512xf32>
    %mul3A_95 = arith.mulf %logistic3A_74, %tanh3A_83 : vector<64x512xf32>
    %add3A_96 = arith.addf %mul3A_94, %mul3A_95 : vector<64x512xf32>
    %tanh3A_97 = math.tanh %add3A_96 : vector<64x512xf32>
    %mul3A_98 = arith.mulf %logistic3A_90, %tanh3A_97 : vector<64x512xf32>
    %swap3A_99 = arith.constant 0 : index
    %swap3A_100 = arith.constant 0 : index
    %swap3A_101 = vector.load %arg9[%swap3A_99, %swap3A_100] : memref<64x512xf32, #tpu.memory_space<vmem>>, vector<64x512xf32>
    tpu.vector_store %arg9[%swap3A_99, %swap3A_100], %add3A_96 {strides = array<i32>} : memref<64x512xf32, #tpu.memory_space<vmem>>, vector<64x512xf32>,
    %swap3A_102 = arith.constant 0 : index
    %swap3A_103 = arith.constant 0 : index
    %swap3A_104 = vector.load %arg8[%swap3A_102, %swap3A_103] : memref<64x512xf32, #tpu.memory_space<vmem>>, vector<64x512xf32>
    tpu.vector_store %arg8[%swap3A_102, %swap3A_103], %mul3A_98 {strides = array<i32>} : memref<64x512xf32, #tpu.memory_space<vmem>>, vector<64x512xf32>,
    %swap3A_105 = arith.constant 64 : index
    %swap3A_106 = arith.constant 0 : index
    %swap3A_107 = vector.load %arg10[%swap3A_105, %swap3A_106] : memref<512x512xf32, #tpu.memory_space<vmem>>, vector<64x512xf32>
    tpu.vector_store %arg10[%swap3A_105, %swap3A_106], %mul3A_98 {strides = array<i32>} : memref<512x512xf32, #tpu.memory_space<vmem>>, vector<64x512xf32>,
    %slice3A_108 = vector.extract_strided_slice %add3A_12 {offsets = [128, 0], sizes = [64, 2048], strides = [1, 1]} : vector<512x2048xf32> to vector<64x2048xf32>
    %get3A_109 = arith.constant 0 : index
    %get3A_110 = arith.constant 0 : index
    %get3A_111 = vector.load %arg8[%get3A_109, %get3A_110] : memref<64x512xf32, #tpu.memory_space<vmem>>, vector<64x512xf32>
    %get3A_112 = arith.constant 0 : index
    %get3A_113 = arith.constant 0 : index
    %get3A_114 = vector.load %arg3[%get3A_112, %get3A_113] : memref<512x2048xf32, #tpu.memory_space<vmem>>, vector<512x2048xf32>
    %dot_general3A_115 = arith.constant dense<0.000000e+00> : vector<64x2048xf32>
    %dot_general3A_116 = tpu.matmul %get3A_111, %get3A_114, %dot_general3A_115 {dimension_numbers = #tpu.dot_dimension_numbers<[1], [0], [0], [1], [0, 0, 1, 1], [], []>, transpose_lhs_hint = false} : vector<64x512xf32>, vector<512x2048xf32>, vector<64x2048xf32> -> vector<64x2048xf32>
    %add3A_117 = arith.addf %slice3A_108, %dot_general3A_116 : vector<64x2048xf32>
    %slice3A_118 = vector.extract_strided_slice %add3A_117 {offsets = [0, 0], sizes = [64, 512], strides = [1, 1]} : vector<64x2048xf32> to vector<64x512xf32>
    %logistic3A_119 = arith.negf %slice3A_118 : vector<64x512xf32>
    %logistic3A_120 = math.exp %logistic3A_119 : vector<64x512xf32>
    %logistic3A_121 = arith.constant 1.000000e+00 : f32
    %logistic3A_122 = vector.broadcast %logistic3A_121 : f32 to vector<64x512xf32>
    %logistic3A_123 = arith.addf %logistic3A_122, %logistic3A_120 : vector<64x512xf32>
    %logistic3A_124 = arith.divf %logistic3A_122, %logistic3A_123 : vector<64x512xf32>
    %slice3A_125 = vector.extract_strided_slice %add3A_117 {offsets = [0, 512], sizes = [64, 512], strides = [1, 1]} : vector<64x2048xf32> to vector<64x512xf32>
    %logistic3A_126 = arith.negf %slice3A_125 : vector<64x512xf32>
    %logistic3A_127 = math.exp %logistic3A_126 : vector<64x512xf32>
    %logistic3A_128 = arith.constant 1.000000e+00 : f32
    %logistic3A_129 = vector.broadcast %logistic3A_128 : f32 to vector<64x512xf32>
    %logistic3A_130 = arith.addf %logistic3A_129, %logistic3A_127 : vector<64x512xf32>
    %logistic3A_131 = arith.divf %logistic3A_129, %logistic3A_130 : vector<64x512xf32>
    %slice3A_132 = vector.extract_strided_slice %add3A_117 {offsets = [0, 1024], sizes = [64, 512], strides = [1, 1]} : vector<64x2048xf32> to vector<64x512xf32>
    %tanh3A_133 = math.tanh %slice3A_132 : vector<64x512xf32>
    %slice3A_134 = vector.extract_strided_slice %add3A_117 {offsets = [0, 1536], sizes = [64, 512], strides = [1, 1]} : vector<64x2048xf32> to vector<64x512xf32>
    %logistic3A_135 = arith.negf %slice3A_134 : vector<64x512xf32>
    %logistic3A_136 = math.exp %logistic3A_135 : vector<64x512xf32>
    %logistic3A_137 = arith.constant 1.000000e+00 : f32
    %logistic3A_138 = vector.broadcast %logistic3A_137 : f32 to vector<64x512xf32>
    %logistic3A_139 = arith.addf %logistic3A_138, %logistic3A_136 : vector<64x512xf32>
    %logistic3A_140 = arith.divf %logistic3A_138, %logistic3A_139 : vector<64x512xf32>
    %get3A_141 = arith.constant 0 : index
    %get3A_142 = arith.constant 0 : index
    %get3A_143 = vector.load %arg9[%get3A_141, %get3A_142] : memref<64x512xf32, #tpu.memory_space<vmem>>, vector<64x512xf32>
    %mul3A_144 = arith.mulf %logistic3A_131, %get3A_143 : vector<64x512xf32>
    %mul3A_145 = arith.mulf %logistic3A_124, %tanh3A_133 : vector<64x512xf32>
    %add3A_146 = arith.addf %mul3A_144, %mul3A_145 : vector<64x512xf32>
    %tanh3A_147 = math.tanh %add3A_146 : vector<64x512xf32>
    %mul3A_148 = arith.mulf %logistic3A_140, %tanh3A_147 : vector<64x512xf32>
    %swap3A_149 = arith.constant 0 : index
    %swap3A_150 = arith.constant 0 : index
    %swap3A_151 = vector.load %arg9[%swap3A_149, %swap3A_150] : memref<64x512xf32, #tpu.memory_space<vmem>>, vector<64x512xf32>
    tpu.vector_store %arg9[%swap3A_149, %swap3A_150], %add3A_146 {strides = array<i32>} : memref<64x512xf32, #tpu.memory_space<vmem>>, vector<64x512xf32>,
    %swap3A_152 = arith.constant 0 : index
    %swap3A_153 = arith.constant 0 : index
    %swap3A_154 = vector.load %arg8[%swap3A_152, %swap3A_153] : memref<64x512xf32, #tpu.memory_space<vmem>>, vector<64x512xf32>
    tpu.vector_store %arg8[%swap3A_152, %swap3A_153], %mul3A_148 {strides = array<i32>} : memref<64x512xf32, #tpu.memory_space<vmem>>, vector<64x512xf32>,
    %swap3A_155 = arith.constant 128 : index
    %swap3A_156 = arith.constant 0 : index
    %swap3A_157 = vector.load %arg10[%swap3A_155, %swap3A_156] : memref<512x512xf32, #tpu.memory_space<vmem>>, vector<64x512xf32>
    tpu.vector_store %arg10[%swap3A_155, %swap3A_156], %mul3A_148 {strides = array<i32>} : memref<512x512xf32, #tpu.memory_space<vmem>>, vector<64x512xf32>,
    %slice3A_158 = vector.extract_strided_slice %add3A_12 {offsets = [192, 0], sizes = [64, 2048], strides = [1, 1]} : vector<512x2048xf32> to vector<64x2048xf32>
    %get3A_159 = arith.constant 0 : index
    %get3A_160 = arith.constant 0 : index
    %get3A_161 = vector.load %arg8[%get3A_159, %get3A_160] : memref<64x512xf32, #tpu.memory_space<vmem>>, vector<64x512xf32>
    %get3A_162 = arith.constant 0 : index
    %get3A_163 = arith.constant 0 : index
    %get3A_164 = vector.load %arg3[%get3A_162, %get3A_163] : memref<512x2048xf32, #tpu.memory_space<vmem>>, vector<512x2048xf32>
    %dot_general3A_165 = arith.constant dense<0.000000e+00> : vector<64x2048xf32>
    %dot_general3A_166 = tpu.matmul %get3A_161, %get3A_164, %dot_general3A_165 {dimension_numbers = #tpu.dot_dimension_numbers<[1], [0], [0], [1], [0, 0, 1, 1], [], []>, transpose_lhs_hint = false} : vector<64x512xf32>, vector<512x2048xf32>, vector<64x2048xf32> -> vector<64x2048xf32>
    %add3A_167 = arith.addf %slice3A_158, %dot_general3A_166 : vector<64x2048xf32>
    %slice3A_168 = vector.extract_strided_slice %add3A_167 {offsets = [0, 0], sizes = [64, 512], strides = [1, 1]} : vector<64x2048xf32> to vector<64x512xf32>
    %logistic3A_169 = arith.negf %slice3A_168 : vector<64x512xf32>
    %logistic3A_170 = math.exp %logistic3A_169 : vector<64x512xf32>
    %logistic3A_171 = arith.constant 1.000000e+00 : f32
    %logistic3A_172 = vector.broadcast %logistic3A_171 : f32 to vector<64x512xf32>
    %logistic3A_173 = arith.addf %logistic3A_172, %logistic3A_170 : vector<64x512xf32>
    %logistic3A_174 = arith.divf %logistic3A_172, %logistic3A_173 : vector<64x512xf32>
    %slice3A_175 = vector.extract_strided_slice %add3A_167 {offsets = [0, 512], sizes = [64, 512], strides = [1, 1]} : vector<64x2048xf32> to vector<64x512xf32>
    %logistic3A_176 = arith.negf %slice3A_175 : vector<64x512xf32>
    %logistic3A_177 = math.exp %logistic3A_176 : vector<64x512xf32>
    %logistic3A_178 = arith.constant 1.000000e+00 : f32
    %logistic3A_179 = vector.broadcast %logistic3A_178 : f32 to vector<64x512xf32>
    %logistic3A_180 = arith.addf %logistic3A_179, %logistic3A_177 : vector<64x512xf32>
    %logistic3A_181 = arith.divf %logistic3A_179, %logistic3A_180 : vector<64x512xf32>
    %slice3A_182 = vector.extract_strided_slice %add3A_167 {offsets = [0, 1024], sizes = [64, 512], strides = [1, 1]} : vector<64x2048xf32> to vector<64x512xf32>
    %tanh3A_183 = math.tanh %slice3A_182 : vector<64x512xf32>
    %slice3A_184 = vector.extract_strided_slice %add3A_167 {offsets = [0, 1536], sizes = [64, 512], strides = [1, 1]} : vector<64x2048xf32> to vector<64x512xf32>
    %logistic3A_185 = arith.negf %slice3A_184 : vector<64x512xf32>
    %logistic3A_186 = math.exp %logistic3A_185 : vector<64x512xf32>
    %logistic3A_187 = arith.constant 1.000000e+00 : f32
    %logistic3A_188 = vector.broadcast %logistic3A_187 : f32 to vector<64x512xf32>
    %logistic3A_189 = arith.addf %logistic3A_188, %logistic3A_186 : vector<64x512xf32>
    %logistic3A_190 = arith.divf %logistic3A_188, %logistic3A_189 : vector<64x512xf32>
    %get3A_191 = arith.constant 0 : index
    %get3A_192 = arith.constant 0 : index
    %get3A_193 = vector.load %arg9[%get3A_191, %get3A_192] : memref<64x512xf32, #tpu.memory_space<vmem>>, vector<64x512xf32>
    %mul3A_194 = arith.mulf %logistic3A_181, %get3A_193 : vector<64x512xf32>
    %mul3A_195 = arith.mulf %logistic3A_174, %tanh3A_183 : vector<64x512xf32>
    %add3A_196 = arith.addf %mul3A_194, %mul3A_195 : vector<64x512xf32>
    %tanh3A_197 = math.tanh %add3A_196 : vector<64x512xf32>
    %mul3A_198 = arith.mulf %logistic3A_190, %tanh3A_197 : vector<64x512xf32>
    %swap3A_199 = arith.constant 0 : index
    %swap3A_200 = arith.constant 0 : index
    %swap3A_201 = vector.load %arg9[%swap3A_199, %swap3A_200] : memref<64x512xf32, #tpu.memory_space<vmem>>, vector<64x512xf32>
    tpu.vector_store %arg9[%swap3A_199, %swap3A_200], %add3A_196 {strides = array<i32>} : memref<64x512xf32, #tpu.memory_space<vmem>>, vector<64x512xf32>,
    %swap3A_202 = arith.constant 0 : index
    %swap3A_203 = arith.constant 0 : index
    %swap3A_204 = vector.load %arg8[%swap3A_202, %swap3A_203] : memref<64x512xf32, #tpu.memory_space<vmem>>, vector<64x512xf32>
    tpu.vector_store %arg8[%swap3A_202, %swap3A_203], %mul3A_198 {strides = array<i32>} : memref<64x512xf32, #tpu.memory_space<vmem>>, vector<64x512xf32>,
    %swap3A_205 = arith.constant 192 : index
    %swap3A_206 = arith.constant 0 : index
    %swap3A_207 = vector.load %arg10[%swap3A_205, %swap3A_206] : memref<512x512xf32, #tpu.memory_space<vmem>>, vector<64x512xf32>
    tpu.vector_store %arg10[%swap3A_205, %swap3A_206], %mul3A_198 {strides = array<i32>} : memref<512x512xf32, #tpu.memory_space<vmem>>, vector<64x512xf32>,
    %slice3A_208 = vector.extract_strided_slice %add3A_12 {offsets = [256, 0], sizes = [64, 2048], strides = [1, 1]} : vector<512x2048xf32> to vector<64x2048xf32>
    %get3A_209 = arith.constant 0 : index
    %get3A_210 = arith.constant 0 : index
    %get3A_211 = vector.load %arg8[%get3A_209, %get3A_210] : memref<64x512xf32, #tpu.memory_space<vmem>>, vector<64x512xf32>
    %get3A_212 = arith.constant 0 : index
    %get3A_213 = arith.constant 0 : index
    %get3A_214 = vector.load %arg3[%get3A_212, %get3A_213] : memref<512x2048xf32, #tpu.memory_space<vmem>>, vector<512x2048xf32>
    %dot_general3A_215 = arith.constant dense<0.000000e+00> : vector<64x2048xf32>
    %dot_general3A_216 = tpu.matmul %get3A_211, %get3A_214, %dot_general3A_215 {dimension_numbers = #tpu.dot_dimension_numbers<[1], [0], [0], [1], [0, 0, 1, 1], [], []>, transpose_lhs_hint = false} : vector<64x512xf32>, vector<512x2048xf32>, vector<64x2048xf32> -> vector<64x2048xf32>
    %add3A_217 = arith.addf %slice3A_208, %dot_general3A_216 : vector<64x2048xf32>
    %slice3A_218 = vector.extract_strided_slice %add3A_217 {offsets = [0, 0], sizes = [64, 512], strides = [1, 1]} : vector<64x2048xf32> to vector<64x512xf32>
    %logistic3A_219 = arith.negf %slice3A_218 : vector<64x512xf32>
    %logistic3A_220 = math.exp %logistic3A_219 : vector<64x512xf32>
    %logistic3A_221 = arith.constant 1.000000e+00 : f32
    %logistic3A_222 = vector.broadcast %logistic3A_221 : f32 to vector<64x512xf32>
    %logistic3A_223 = arith.addf %logistic3A_222, %logistic3A_220 : vector<64x512xf32>
    %logistic3A_224 = arith.divf %logistic3A_222, %logistic3A_223 : vector<64x512xf32>
    %slice3A_225 = vector.extract_strided_slice %add3A_217 {offsets = [0, 512], sizes = [64, 512], strides = [1, 1]} : vector<64x2048xf32> to vector<64x512xf32>
    %logistic3A_226 = arith.negf %slice3A_225 : vector<64x512xf32>
    %logistic3A_227 = math.exp %logistic3A_226 : vector<64x512xf32>
    %logistic3A_228 = arith.constant 1.000000e+00 : f32
    %logistic3A_229 = vector.broadcast %logistic3A_228 : f32 to vector<64x512xf32>
    %logistic3A_230 = arith.addf %logistic3A_229, %logistic3A_227 : vector<64x512xf32>
    %logistic3A_231 = arith.divf %logistic3A_229, %logistic3A_230 : vector<64x512xf32>
    %slice3A_232 = vector.extract_strided_slice %add3A_217 {offsets = [0, 1024], sizes = [64, 512], strides = [1, 1]} : vector<64x2048xf32> to vector<64x512xf32>
    %tanh3A_233 = math.tanh %slice3A_232 : vector<64x512xf32>
    %slice3A_234 = vector.extract_strided_slice %add3A_217 {offsets = [0, 1536], sizes = [64, 512], strides = [1, 1]} : vector<64x2048xf32> to vector<64x512xf32>
    %logistic3A_235 = arith.negf %slice3A_234 : vector<64x512xf32>
    %logistic3A_236 = math.exp %logistic3A_235 : vector<64x512xf32>
    %logistic3A_237 = arith.constant 1.000000e+00 : f32
    %logistic3A_238 = vector.broadcast %logistic3A_237 : f32 to vector<64x512xf32>
    %logistic3A_239 = arith.addf %logistic3A_238, %logistic3A_236 : vector<64x512xf32>
    %logistic3A_240 = arith.divf %logistic3A_238, %logistic3A_239 : vector<64x512xf32>
    %get3A_241 = arith.constant 0 : index
    %get3A_242 = arith.constant 0 : index
    %get3A_243 = vector.load %arg9[%get3A_241, %get3A_242] : memref<64x512xf32, #tpu.memory_space<vmem>>, vector<64x512xf32>
    %mul3A_244 = arith.mulf %logistic3A_231, %get3A_243 : vector<64x512xf32>
    %mul3A_245 = arith.mulf %logistic3A_224, %tanh3A_233 : vector<64x512xf32>
    %add3A_246 = arith.addf %mul3A_244, %mul3A_245 : vector<64x512xf32>
    %tanh3A_247 = math.tanh %add3A_246 : vector<64x512xf32>
    %mul3A_248 = arith.mulf %logistic3A_240, %tanh3A_247 : vector<64x512xf32>
    %swap3A_249 = arith.constant 0 : index
    %swap3A_250 = arith.constant 0 : index
    %swap3A_251 = vector.load %arg9[%swap3A_249, %swap3A_250] : memref<64x512xf32, #tpu.memory_space<vmem>>, vector<64x512xf32>
    tpu.vector_store %arg9[%swap3A_249, %swap3A_250], %add3A_246 {strides = array<i32>} : memref<64x512xf32, #tpu.memory_space<vmem>>, vector<64x512xf32>,
    %swap3A_252 = arith.constant 0 : index
    %swap3A_253 = arith.constant 0 : index
    %swap3A_254 = vector.load %arg8[%swap3A_252, %swap3A_253] : memref<64x512xf32, #tpu.memory_space<vmem>>, vector<64x512xf32>
    tpu.vector_store %arg8[%swap3A_252, %swap3A_253], %mul3A_248 {strides = array<i32>} : memref<64x512xf32, #tpu.memory_space<vmem>>, vector<64x512xf32>,
    %swap3A_255 = arith.constant 256 : index
    %swap3A_256 = arith.constant 0 : index
    %swap3A_257 = vector.load %arg10[%swap3A_255, %swap3A_256] : memref<512x512xf32, #tpu.memory_space<vmem>>, vector<64x512xf32>
    tpu.vector_store %arg10[%swap3A_255, %swap3A_256], %mul3A_248 {strides = array<i32>} : memref<512x512xf32, #tpu.memory_space<vmem>>, vector<64x512xf32>,
    %slice3A_258 = vector.extract_strided_slice %add3A_12 {offsets = [320, 0], sizes = [64, 2048], strides = [1, 1]} : vector<512x2048xf32> to vector<64x2048xf32>
    %get3A_259 = arith.constant 0 : index
    %get3A_260 = arith.constant 0 : index
    %get3A_261 = vector.load %arg8[%get3A_259, %get3A_260] : memref<64x512xf32, #tpu.memory_space<vmem>>, vector<64x512xf32>
    %get3A_262 = arith.constant 0 : index
    %get3A_263 = arith.constant 0 : index
    %get3A_264 = vector.load %arg3[%get3A_262, %get3A_263] : memref<512x2048xf32, #tpu.memory_space<vmem>>, vector<512x2048xf32>
    %dot_general3A_265 = arith.constant dense<0.000000e+00> : vector<64x2048xf32>
    %dot_general3A_266 = tpu.matmul %get3A_261, %get3A_264, %dot_general3A_265 {dimension_numbers = #tpu.dot_dimension_numbers<[1], [0], [0], [1], [0, 0, 1, 1], [], []>, transpose_lhs_hint = false} : vector<64x512xf32>, vector<512x2048xf32>, vector<64x2048xf32> -> vector<64x2048xf32>
    %add3A_267 = arith.addf %slice3A_258, %dot_general3A_266 : vector<64x2048xf32>
    %slice3A_268 = vector.extract_strided_slice %add3A_267 {offsets = [0, 0], sizes = [64, 512], strides = [1, 1]} : vector<64x2048xf32> to vector<64x512xf32>
    %logistic3A_269 = arith.negf %slice3A_268 : vector<64x512xf32>
    %logistic3A_270 = math.exp %logistic3A_269 : vector<64x512xf32>
    %logistic3A_271 = arith.constant 1.000000e+00 : f32
    %logistic3A_272 = vector.broadcast %logistic3A_271 : f32 to vector<64x512xf32>
    %logistic3A_273 = arith.addf %logistic3A_272, %logistic3A_270 : vector<64x512xf32>
    %logistic3A_274 = arith.divf %logistic3A_272, %logistic3A_273 : vector<64x512xf32>
    %slice3A_275 = vector.extract_strided_slice %add3A_267 {offsets = [0, 512], sizes = [64, 512], strides = [1, 1]} : vector<64x2048xf32> to vector<64x512xf32>
    %logistic3A_276 = arith.negf %slice3A_275 : vector<64x512xf32>
    %logistic3A_277 = math.exp %logistic3A_276 : vector<64x512xf32>
    %logistic3A_278 = arith.constant 1.000000e+00 : f32
    %logistic3A_279 = vector.broadcast %logistic3A_278 : f32 to vector<64x512xf32>
    %logistic3A_280 = arith.addf %logistic3A_279, %logistic3A_277 : vector<64x512xf32>
    %logistic3A_281 = arith.divf %logistic3A_279, %logistic3A_280 : vector<64x512xf32>
    %slice3A_282 = vector.extract_strided_slice %add3A_267 {offsets = [0, 1024], sizes = [64, 512], strides = [1, 1]} : vector<64x2048xf32> to vector<64x512xf32>
    %tanh3A_283 = math.tanh %slice3A_282 : vector<64x512xf32>
    %slice3A_284 = vector.extract_strided_slice %add3A_267 {offsets = [0, 1536], sizes = [64, 512], strides = [1, 1]} : vector<64x2048xf32> to vector<64x512xf32>
    %logistic3A_285 = arith.negf %slice3A_284 : vector<64x512xf32>
    %logistic3A_286 = math.exp %logistic3A_285 : vector<64x512xf32>
    %logistic3A_287 = arith.constant 1.000000e+00 : f32
    %logistic3A_288 = vector.broadcast %logistic3A_287 : f32 to vector<64x512xf32>
    %logistic3A_289 = arith.addf %logistic3A_288, %logistic3A_286 : vector<64x512xf32>
    %logistic3A_290 = arith.divf %logistic3A_288, %logistic3A_289 : vector<64x512xf32>
    %get3A_291 = arith.constant 0 : index
    %get3A_292 = arith.constant 0 : index
    %get3A_293 = vector.load %arg9[%get3A_291, %get3A_292] : memref<64x512xf32, #tpu.memory_space<vmem>>, vector<64x512xf32>
    %mul3A_294 = arith.mulf %logistic3A_281, %get3A_293 : vector<64x512xf32>
    %mul3A_295 = arith.mulf %logistic3A_274, %tanh3A_283 : vector<64x512xf32>
    %add3A_296 = arith.addf %mul3A_294, %mul3A_295 : vector<64x512xf32>
    %tanh3A_297 = math.tanh %add3A_296 : vector<64x512xf32>
    %mul3A_298 = arith.mulf %logistic3A_290, %tanh3A_297 : vector<64x512xf32>
    %swap3A_299 = arith.constant 0 : index
    %swap3A_300 = arith.constant 0 : index
    %swap3A_301 = vector.load %arg9[%swap3A_299, %swap3A_300] : memref<64x512xf32, #tpu.memory_space<vmem>>, vector<64x512xf32>
    tpu.vector_store %arg9[%swap3A_299, %swap3A_300], %add3A_296 {strides = array<i32>} : memref<64x512xf32, #tpu.memory_space<vmem>>, vector<64x512xf32>,
    %swap3A_302 = arith.constant 0 : index
    %swap3A_303 = arith.constant 0 : index
    %swap3A_304 = vector.load %arg8[%swap3A_302, %swap3A_303] : memref<64x512xf32, #tpu.memory_space<vmem>>, vector<64x512xf32>
    tpu.vector_store %arg8[%swap3A_302, %swap3A_303], %mul3A_298 {strides = array<i32>} : memref<64x512xf32, #tpu.memory_space<vmem>>, vector<64x512xf32>,
    %swap3A_305 = arith.constant 320 : index
    %swap3A_306 = arith.constant 0 : index
    %swap3A_307 = vector.load %arg10[%swap3A_305, %swap3A_306] : memref<512x512xf32, #tpu.memory_space<vmem>>, vector<64x512xf32>
    tpu.vector_store %arg10[%swap3A_305, %swap3A_306], %mul3A_298 {strides = array<i32>} : memref<512x512xf32, #tpu.memory_space<vmem>>, vector<64x512xf32>,
    %slice3A_308 = vector.extract_strided_slice %add3A_12 {offsets = [384, 0], sizes = [64, 2048], strides = [1, 1]} : vector<512x2048xf32> to vector<64x2048xf32>
    %get3A_309 = arith.constant 0 : index
    %get3A_310 = arith.constant 0 : index
    %get3A_311 = vector.load %arg8[%get3A_309, %get3A_310] : memref<64x512xf32, #tpu.memory_space<vmem>>, vector<64x512xf32>
    %get3A_312 = arith.constant 0 : index
    %get3A_313 = arith.constant 0 : index
    %get3A_314 = vector.load %arg3[%get3A_312, %get3A_313] : memref<512x2048xf32, #tpu.memory_space<vmem>>, vector<512x2048xf32>
    %dot_general3A_315 = arith.constant dense<0.000000e+00> : vector<64x2048xf32>
    %dot_general3A_316 = tpu.matmul %get3A_311, %get3A_314, %dot_general3A_315 {dimension_numbers = #tpu.dot_dimension_numbers<[1], [0], [0], [1], [0, 0, 1, 1], [], []>, transpose_lhs_hint = false} : vector<64x512xf32>, vector<512x2048xf32>, vector<64x2048xf32> -> vector<64x2048xf32>
    %add3A_317 = arith.addf %slice3A_308, %dot_general3A_316 : vector<64x2048xf32>
    %slice3A_318 = vector.extract_strided_slice %add3A_317 {offsets = [0, 0], sizes = [64, 512], strides = [1, 1]} : vector<64x2048xf32> to vector<64x512xf32>
    %logistic3A_319 = arith.negf %slice3A_318 : vector<64x512xf32>
    %logistic3A_320 = math.exp %logistic3A_319 : vector<64x512xf32>
    %logistic3A_321 = arith.constant 1.000000e+00 : f32
    %logistic3A_322 = vector.broadcast %logistic3A_321 : f32 to vector<64x512xf32>
    %logistic3A_323 = arith.addf %logistic3A_322, %logistic3A_320 : vector<64x512xf32>
    %logistic3A_324 = arith.divf %logistic3A_322, %logistic3A_323 : vector<64x512xf32>
    %slice3A_325 = vector.extract_strided_slice %add3A_317 {offsets = [0, 512], sizes = [64, 512], strides = [1, 1]} : vector<64x2048xf32> to vector<64x512xf32>
    %logistic3A_326 = arith.negf %slice3A_325 : vector<64x512xf32>
    %logistic3A_327 = math.exp %logistic3A_326 : vector<64x512xf32>
    %logistic3A_328 = arith.constant 1.000000e+00 : f32
    %logistic3A_329 = vector.broadcast %logistic3A_328 : f32 to vector<64x512xf32>
    %logistic3A_330 = arith.addf %logistic3A_329, %logistic3A_327 : vector<64x512xf32>
    %logistic3A_331 = arith.divf %logistic3A_329, %logistic3A_330 : vector<64x512xf32>
    %slice3A_332 = vector.extract_strided_slice %add3A_317 {offsets = [0, 1024], sizes = [64, 512], strides = [1, 1]} : vector<64x2048xf32> to vector<64x512xf32>
    %tanh3A_333 = math.tanh %slice3A_332 : vector<64x512xf32>
    %slice3A_334 = vector.extract_strided_slice %add3A_317 {offsets = [0, 1536], sizes = [64, 512], strides = [1, 1]} : vector<64x2048xf32> to vector<64x512xf32>
    %logistic3A_335 = arith.negf %slice3A_334 : vector<64x512xf32>
    %logistic3A_336 = math.exp %logistic3A_335 : vector<64x512xf32>
    %logistic3A_337 = arith.constant 1.000000e+00 : f32
    %logistic3A_338 = vector.broadcast %logistic3A_337 : f32 to vector<64x512xf32>
    %logistic3A_339 = arith.addf %logistic3A_338, %logistic3A_336 : vector<64x512xf32>
    %logistic3A_340 = arith.divf %logistic3A_338, %logistic3A_339 : vector<64x512xf32>
    %get3A_341 = arith.constant 0 : index
    %get3A_342 = arith.constant 0 : index
    %get3A_343 = vector.load %arg9[%get3A_341, %get3A_342] : memref<64x512xf32, #tpu.memory_space<vmem>>, vector<64x512xf32>
    %mul3A_344 = arith.mulf %logistic3A_331, %get3A_343 : vector<64x512xf32>
    %mul3A_345 = arith.mulf %logistic3A_324, %tanh3A_333 : vector<64x512xf32>
    %add3A_346 = arith.addf %mul3A_344, %mul3A_345 : vector<64x512xf32>
    %tanh3A_347 = math.tanh %add3A_346 : vector<64x512xf32>
    %mul3A_348 = arith.mulf %logistic3A_340, %tanh3A_347 : vector<64x512xf32>
    %swap3A_349 = arith.constant 0 : index
    %swap3A_350 = arith.constant 0 : index
    %swap3A_351 = vector.load %arg9[%swap3A_349, %swap3A_350] : memref<64x512xf32, #tpu.memory_space<vmem>>, vector<64x512xf32>
    tpu.vector_store %arg9[%swap3A_349, %swap3A_350], %add3A_346 {strides = array<i32>} : memref<64x512xf32, #tpu.memory_space<vmem>>, vector<64x512xf32>,
    %swap3A_352 = arith.constant 0 : index
    %swap3A_353 = arith.constant 0 : index
    %swap3A_354 = vector.load %arg8[%swap3A_352, %swap3A_353] : memref<64x512xf32, #tpu.memory_space<vmem>>, vector<64x512xf32>
    tpu.vector_store %arg8[%swap3A_352, %swap3A_353], %mul3A_348 {strides = array<i32>} : memref<64x512xf32, #tpu.memory_space<vmem>>, vector<64x512xf32>,
    %swap3A_355 = arith.constant 384 : index
    %swap3A_356 = arith.constant 0 : index
    %swap3A_357 = vector.load %arg10[%swap3A_355, %swap3A_356] : memref<512x512xf32, #tpu.memory_space<vmem>>, vector<64x512xf32>
    tpu.vector_store %arg10[%swap3A_355, %swap3A_356], %mul3A_348 {strides = array<i32>} : memref<512x512xf32, #tpu.memory_space<vmem>>, vector<64x512xf32>,
    %slice3A_358 = vector.extract_strided_slice %add3A_12 {offsets = [448, 0], sizes = [64, 2048], strides = [1, 1]} : vector<512x2048xf32> to vector<64x2048xf32>
    %get3A_359 = arith.constant 0 : index
    %get3A_360 = arith.constant 0 : index
    %get3A_361 = vector.load %arg8[%get3A_359, %get3A_360] : memref<64x512xf32, #tpu.memory_space<vmem>>, vector<64x512xf32>
    %get3A_362 = arith.constant 0 : index
    %get3A_363 = arith.constant 0 : index
    %get3A_364 = vector.load %arg3[%get3A_362, %get3A_363] : memref<512x2048xf32, #tpu.memory_space<vmem>>, vector<512x2048xf32>
    %dot_general3A_365 = arith.constant dense<0.000000e+00> : vector<64x2048xf32>
    %dot_general3A_366 = tpu.matmul %get3A_361, %get3A_364, %dot_general3A_365 {dimension_numbers = #tpu.dot_dimension_numbers<[1], [0], [0], [1], [0, 0, 1, 1], [], []>, transpose_lhs_hint = false} : vector<64x512xf32>, vector<512x2048xf32>, vector<64x2048xf32> -> vector<64x2048xf32>
    %add3A_367 = arith.addf %slice3A_358, %dot_general3A_366 : vector<64x2048xf32>
    %slice3A_368 = vector.extract_strided_slice %add3A_367 {offsets = [0, 0], sizes = [64, 512], strides = [1, 1]} : vector<64x2048xf32> to vector<64x512xf32>
    %logistic3A_369 = arith.negf %slice3A_368 : vector<64x512xf32>
    %logistic3A_370 = math.exp %logistic3A_369 : vector<64x512xf32>
    %logistic3A_371 = arith.constant 1.000000e+00 : f32
    %logistic3A_372 = vector.broadcast %logistic3A_371 : f32 to vector<64x512xf32>
    %logistic3A_373 = arith.addf %logistic3A_372, %logistic3A_370 : vector<64x512xf32>
    %logistic3A_374 = arith.divf %logistic3A_372, %logistic3A_373 : vector<64x512xf32>
    %slice3A_375 = vector.extract_strided_slice %add3A_367 {offsets = [0, 512], sizes = [64, 512], strides = [1, 1]} : vector<64x2048xf32> to vector<64x512xf32>
    %logistic3A_376 = arith.negf %slice3A_375 : vector<64x512xf32>
    %logistic3A_377 = math.exp %logistic3A_376 : vector<64x512xf32>
    %logistic3A_378 = arith.constant 1.000000e+00 : f32
    %logistic3A_379 = vector.broadcast %logistic3A_378 : f32 to vector<64x512xf32>
    %logistic3A_380 = arith.addf %logistic3A_379, %logistic3A_377 : vector<64x512xf32>
    %logistic3A_381 = arith.divf %logistic3A_379, %logistic3A_380 : vector<64x512xf32>
    %slice3A_382 = vector.extract_strided_slice %add3A_367 {offsets = [0, 1024], sizes = [64, 512], strides = [1, 1]} : vector<64x2048xf32> to vector<64x512xf32>
    %tanh3A_383 = math.tanh %slice3A_382 : vector<64x512xf32>
    %slice3A_384 = vector.extract_strided_slice %add3A_367 {offsets = [0, 1536], sizes = [64, 512], strides = [1, 1]} : vector<64x2048xf32> to vector<64x512xf32>
    %logistic3A_385 = arith.negf %slice3A_384 : vector<64x512xf32>
    %logistic3A_386 = math.exp %logistic3A_385 : vector<64x512xf32>
    %logistic3A_387 = arith.constant 1.000000e+00 : f32
    %logistic3A_388 = vector.broadcast %logistic3A_387 : f32 to vector<64x512xf32>
    %logistic3A_389 = arith.addf %logistic3A_388, %logistic3A_386 : vector<64x512xf32>
    %logistic3A_390 = arith.divf %logistic3A_388, %logistic3A_389 : vector<64x512xf32>
    %get3A_391 = arith.constant 0 : index
    %get3A_392 = arith.constant 0 : index
    %get3A_393 = vector.load %arg9[%get3A_391, %get3A_392] : memref<64x512xf32, #tpu.memory_space<vmem>>, vector<64x512xf32>
    %mul3A_394 = arith.mulf %logistic3A_381, %get3A_393 : vector<64x512xf32>
    %mul3A_395 = arith.mulf %logistic3A_374, %tanh3A_383 : vector<64x512xf32>
    %add3A_396 = arith.addf %mul3A_394, %mul3A_395 : vector<64x512xf32>
    %tanh3A_397 = math.tanh %add3A_396 : vector<64x512xf32>
    %mul3A_398 = arith.mulf %logistic3A_390, %tanh3A_397 : vector<64x512xf32>
    %swap3A_399 = arith.constant 0 : index
    %swap3A_400 = arith.constant 0 : index
    %swap3A_401 = vector.load %arg9[%swap3A_399, %swap3A_400] : memref<64x512xf32, #tpu.memory_space<vmem>>, vector<64x512xf32>
    tpu.vector_store %arg9[%swap3A_399, %swap3A_400], %add3A_396 {strides = array<i32>} : memref<64x512xf32, #tpu.memory_space<vmem>>, vector<64x512xf32>,
    %swap3A_402 = arith.constant 0 : index
    %swap3A_403 = arith.constant 0 : index
    %swap3A_404 = vector.load %arg8[%swap3A_402, %swap3A_403] : memref<64x512xf32, #tpu.memory_space<vmem>>, vector<64x512xf32>
    tpu.vector_store %arg8[%swap3A_402, %swap3A_403], %mul3A_398 {strides = array<i32>} : memref<64x512xf32, #tpu.memory_space<vmem>>, vector<64x512xf32>,
    %swap3A_405 = arith.constant 448 : index
    %swap3A_406 = arith.constant 0 : index
    %swap3A_407 = vector.load %arg10[%swap3A_405, %swap3A_406] : memref<512x512xf32, #tpu.memory_space<vmem>>, vector<64x512xf32>
    tpu.vector_store %arg10[%swap3A_405, %swap3A_406], %mul3A_398 {strides = array<i32>} : memref<512x512xf32, #tpu.memory_space<vmem>>, vector<64x512xf32>,
    %get3A_408 = arith.constant 0 : index
    %get3A_409 = arith.constant 0 : index
    %get3A_410 = vector.load %arg10[%get3A_408, %get3A_409] : memref<512x512xf32, #tpu.memory_space<vmem>>, vector<512x512xf32>
    %get3A_411 = arith.constant 0 : index
    %get3A_412 = arith.constant 0 : index
    %get3A_413 = vector.load %arg5[%get3A_411, %get3A_412] : memref<512x1000xf32, #tpu.memory_space<vmem>>, vector<512x1000xf32>
    %dot_general3A_414 = arith.constant dense<0.000000e+00> : vector<512x1000xf32>
    %dot_general3A_415 = tpu.matmul %get3A_410, %get3A_413, %dot_general3A_414 {dimension_numbers = #tpu.dot_dimension_numbers<[1], [0], [0], [1], [0, 0, 1, 1], [], []>, transpose_lhs_hint = false} : vector<512x512xf32>, vector<512x1000xf32>, vector<512x1000xf32> -> vector<512x1000xf32>
    %get3A_416 = arith.constant 0 : index
    %get3A_417 = arith.constant 0 : index
    %get3A_418 = vector.load %arg6[%get3A_416, %get3A_417] : memref<1x1000xf32, #tpu.memory_space<vmem>>, vector<1x1000xf32>
    %add3A_419 = vector.broadcast %get3A_418 : vector<1x1000xf32> to vector<512x1000xf32>
    %add3A_420 = arith.addf %dot_general3A_415, %add3A_419 : vector<512x1000xf32>
    %swap3A_421 = arith.constant 0 : index
    %swap3A_422 = arith.constant 0 : index
    %swap3A_423 = vector.load %arg7[%swap3A_421, %swap3A_422] : memref<512x1000xf32, #tpu.memory_space<vmem>>, vector<512x1000xf32>
    tpu.vector_store %arg7[%swap3A_421, %swap3A_422], %add3A_420 {strides = array<i32>} : memref<512x1000xf32, #tpu.memory_space<vmem>>, vector<512x1000xf32>,
    return
  }
  func.func @transform_0(%arg0: i32) -> (i32, i32, i32) {
    %c0_i32 = arith.constant 0 : i32
    %c0_i32_0 = arith.constant 0 : i32
    %c0_i32_1 = arith.constant 0 : i32
    return %arg0, %c0_i32, %c0_i32_0 : i32, i32, i32
  }
  func.func @transform_1(%arg0: i32) -> (i32, i32) {
    %c0_i32 = arith.constant 0 : i32
    %c0_i32_0 = arith.constant 0 : i32
    %c0_i32_1 = arith.constant 0 : i32
    return %c0_i32, %c0_i32_0 : i32, i32
  }
  func.func @transform_2(%arg0: i32) -> (i32, i32) {
    %c0_i32 = arith.constant 0 : i32
    %c0_i32_0 = arith.constant 0 : i32
    %c0_i32_1 = arith.constant 0 : i32
    return %c0_i32, %c0_i32_0 : i32, i32
  }
  func.func @transform_3(%arg0: i32) -> (i32, i32) {
    %c0_i32 = arith.constant 0 : i32
    %c0_i32_0 = arith.constant 0 : i32
    %c0_i32_1 = arith.constant 0 : i32
    return %c0_i32, %c0_i32_0 : i32, i32
  }
  func.func @transform_4(%arg0: i32) -> (i32, i32) {
    %c0_i32 = arith.constant 0 : i32
    %c0_i32_0 = arith.constant 0 : i32
    %c0_i32_1 = arith.constant 0 : i32
    return %c0_i32, %c0_i32_0 : i32, i32
  }
  func.func @transform_5(%arg0: i32) -> (i32, i32) {
    %c0_i32 = arith.constant 0 : i32
    %c0_i32_0 = arith.constant 0 : i32
    %c0_i32_1 = arith.constant 0 : i32
    return %c0_i32, %c0_i32_0 : i32, i32
  }
  func.func @transform_6(%arg0: i32) -> (i32, i32) {
    %c0_i32 = arith.constant 0 : i32
    %c0_i32_0 = arith.constant 0 : i32
    return %arg0, %c0_i32 : i32, i32
  }
}

</mosaic_0001>

<sc_bundles>
// kernel: kernel.5.cloned.1.call-start
scs
__scs_entry_jumppad:
0x0: {  	(pc) =	sbr.rel $0x88, $3  }
0x1: {  	(tag) =	ssettag $0x0;
	lr =	simm.s32 $0x1  }
0x2: {  	[smem:$0x3F9A] =	sst lr;
	_ =	strace $0xD0000000  }
0x3: {  	_ = 	snop  }
0x4: {  	_ = 	snop  }
0x5: {  	_ = 	snop  }
0x6: {  	_ = 	snop  }
0x7: {  	_ = 	snop  }
__scs_overlays_trampoline_lowered:
0x8: {  	[smem:$0x3FA9] =	sst s0  }
0x9: {  	[smem:$0x3FAA] =	sst s1  }
0xa: {  	[smem:$0x3FAB] =	sst s2  }
0xb: {  	[smem:$0x3FAC] =	sst s3  }
0xc: {  	[smem:$0x3FAD] =	sst s4  }
0xd: {  	[smem:$0x3FAE] =	sst s5  }
0xe: {  	[smem:$0x3FAF] =	sst s6  }
0xf: {  	[smem:$0x3FB0] =	sst s7  }
0x10: {  	[smem:$0x3FB1] =	sst s8  }
0x11: {  	[smem:$0x3FB2] =	sst s9;
	s0 =	simm.s32 @!p0 $0x0  }
0x12: {  	s1 =	sld [smem:$0x3F98];
	s0 =	simm.s32 @p0 $0x1  }
0x13: {  	[smem:$0x3FB3] =	sst s0;
	s0 =	simm.s32 @!p1 $0x0  }
0x14: {  	s2 =	sld [smem:$0x3F97];
	s0 =	simm.s32 @p1 $0x1  }
0x15: {  	[smem:$0x3FB4] =	sst s0;
	s0 =	simm.s32 @!p2 $0x0  }
0x16: {  	s3 =	sld [smem:$0x3FDB];
	s0 =	simm.s32 @p2 $0x1  }
0x17: {  	s4 =	simm.s32 $0x1BF5;
	[smem:$0x3FB6] =	sst s0  }
0x18: {  	s0 =	sld [smem:$0x3F99];
	_ =	swait.ge [sflag:s4], $0x0  }
0x19: {  	s7 =	sld [smem:$0x3F9A]  }
0x1a: {  	s8 =	sadd.s32 $0xFFFFE003, lr  }
0x1b: {  	s9 =	sadd.s32 $0xFFFFFEF7, lr;
	s5 =	simm.s32 $0xFFFFFFFF;
	p2 =	slt.u32 s8, $0xFFFFF086  }
0x1c: {  	p1 =	slt.u32 s9, $0xF7A;
	s5 =	simm.s32 @!p2 $0x0  }
0x1d: {  	s5 =	simm.s32 @p1 $0x1;
	p0 =	seq.s32 s7, s2  }
0x1e: {  	s7 =	smul.u32 @!p0 $0xF7A, s2;
	p2 =	seq.s32 @!p0 s5, $0x0  }
0x1f: {  	s9 =	smul.u32 $0xF7A, s1;
	s8 =	simm.s32 @!p0 $0x1BF5;
	p2 =	por !p2, p0  }
0x20: {  	[sflag:s8] =	ssyncset.s32 @!p0 $0xFFFFF086;
	s6 =	sadd.s32 @!p0 s3, s7;
	s7 =	simm.s32 @!p0 $0x108  }
0x21: {  	s3 =	sadd.s32 s3, s9;
	s6 =	sadd.s32 @!p0 $0x88, s6;
	s7 =	simm.s32 @p2 $0x1082  }
0x22: {  	[simem:s7], [sflag:s8] =	dma.local @!p0 [hbm:s6], $0xF7A  }
0x23: {  	s9 =	sor.u32 $0xD0000000, s2;
	s6 =	simm.s32 $0x108;
	_ =	swait.ge @!p0 [sflag:s8], $0x0  }
0x24: {  	s3 =	sadd.s32 $0x88, s3;
	s6 =	simm.s32 @!p1 $0x1082;
	[sflag:s4] =	ssyncset.s32 $0xFFFFF086  }
0x25: {  	[simem:s6], [sflag:s4] =	dma.local [hbm:s3], $0xF7A  }
0x26: {  	[smem:$0x3F9A] =	sst s1;
	(tag) =	ssettag s2;
	_ =	strace s9  }
0x27: {  	s1 =	sld [smem:$0x3FAA]  }
0x28: {  	s2 =	sld [smem:$0x3FAB]  }
0x29: {  	s4 =	sld [smem:$0x3FAD]  }
0x2a: {  	p0 =	seq.s32 s5, $0x0;
	s5 =	sld [smem:$0x3FAE]  }
0x2b: {  	s6 =	sld [smem:$0x3FAF]  }
0x2c: {  	s7 =	sld [smem:$0x3FB0]  }
0x2d: {  	s3 =	simm.s32 $0x108;
	s8 =	sld [smem:$0x3FB1]  }
0x2e: {  	s3 =	simm.s32 @!p0 $0x1082;
	s9 =	sld [smem:$0x3FB2]  }
0x2f: {  	lr =	sadd.s32 s0, s3;
	s0 =	sld [smem:$0x3FA9]  }
0x30: {  	s3 =	sld [smem:$0x3FAC]  }
0x31: {  	[smem:$0x3FB5] =	sst s10  }
0x32: {  	s10 =	sld [smem:$0x3FB3];
	_ =	sdelay $0x3  }
0x33: {  	p0 =	seq.s32 s10, $0x1;
	s10 =	sld [smem:$0x3FB5];
	_ =	sdelay $0x3  }
0x34: {  	[smem:$0x3FB5] =	sst s10  }
0x35: {  	s10 =	sld [smem:$0x3FB4];
	_ =	sdelay $0x3  }
0x36: {  	p1 =	seq.s32 s10, $0x1;
	s10 =	sld [smem:$0x3FB5];
	_ =	sdelay $0x3  }
0x37: {  	[smem:$0x3FB5] =	sst s10  }
0x38: {  	s10 =	sld [smem:$0x3FB6]  }
0x39: {  	_ = 	snop;
	(pc) =	sbr.ind lr, $3  }
0x3a: {  	_ = 	snop  }
0x3b: {  	_ = 	snop  }
0x3c: {  	p2 =	seq.s32 s10, $0x1;
	s10 =	sld [smem:$0x3FB5]  }
0x3d: {  	_ =	shalt  }
0x3e: {  	_ =	shalt  }
0x3f: {  	_ =	shalt  }
0x40: {  	_ =	shalt  }
0x41: {  	_ =	shalt  }
0x42: {  	_ =	shalt  }
0x43: {  	_ =	shalt  }
0x44: {  	_ =	shalt  }
0x45: {  	_ =	shalt  }
0x46: {  	_ =	shalt  }
0x47: {  	_ =	shalt  }
0x48: {  	_ =	shalt  }
0x49: {  	_ =	shalt  }
0x4a: {  	_ =	shalt  }
0x4b: {  	_ =	shalt  }
0x4c: {  	_ =	shalt  }
0x4d: {  	_ =	shalt  }
0x4e: {  	_ =	shalt  }
0x4f: {  	_ =	shalt  }
0x50: {  	_ =	shalt  }
0x51: {  	_ =	shalt  }
0x52: {  	_ =	shalt  }
0x53: {  	_ =	shalt  }
0x54: {  	_ =	shalt  }
0x55: {  	_ =	shalt  }
0x56: {  	_ =	shalt  }
0x57: {  	_ =	shalt  }
0x58: {  	_ =	shalt  }
0x59: {  	_ =	shalt  }
0x5a: {  	_ =	shalt  }
0x5b: {  	_ =	shalt  }
0x5c: {  	_ =	shalt  }
0x5d: {  	_ =	shalt  }
0x5e: {  	_ =	shalt  }
0x5f: {  	_ =	shalt  }
0x60: {  	_ =	shalt  }
0x61: {  	_ =	shalt  }
0x62: {  	_ =	shalt  }
0x63: {  	_ =	shalt  }
0x64: {  	_ =	shalt  }
0x65: {  	_ =	shalt  }
0x66: {  	_ =	shalt  }
0x67: {  	_ =	shalt  }
0x68: {  	_ =	shalt  }
0x69: {  	_ =	shalt  }
0x6a: {  	_ =	shalt  }
0x6b: {  	_ =	shalt  }
0x6c: {  	_ =	shalt  }
0x6d: {  	_ =	shalt  }
0x6e: {  	_ =	shalt  }
0x6f: {  	_ =	shalt  }
0x70: {  	_ =	shalt  }
0x71: {  	_ =	shalt  }
0x72: {  	_ =	shalt  }
0x73: {  	_ =	shalt  }
0x74: {  	_ =	shalt  }
0x75: {  	_ =	shalt  }
0x76: {  	_ =	shalt  }
0x77: {  	_ =	shalt  }
0x78: {  	_ =	shalt  }
0x79: {  	_ =	shalt  }
0x7a: {  	_ =	shalt  }
0x7b: {  	_ =	shalt  }
0x7c: {  	_ =	shalt  }
0x7d: {  	_ =	shalt  }
0x7e: {  	_ =	shalt  }
0x7f: {  	_ =	shalt  }
0x80: {  	_ =	shalt  }
0x81: {  	_ =	shalt  }
0x82: {  	_ =	shalt  }
0x83: {  	_ =	shalt  }
0x84: {  	_ =	shalt  }
0x85: {  	_ =	shalt  }
0x86: {  	_ =	shalt  }
0x87: {  	_ =	shalt  }
.Lfunc_end0:
.L_simem_size_0:
called_computation_lowered:
.L_overlay_start_0:
0x88: {  	s2 =	sld [smem:$0x3FD9]  }
0x89: {  	s3 =	sld [smem:$0x3FFE];
	_ =	sdelay $0x1  }
0x8a: {  	s1 =	srdreg.scid  }
0x8b: {  	s0 =	sand.u32 $0x1, s1  }
0x8c: {  	s17 =	sshll.u32 s0, $0xA;
	s2 =	sadd.s32 s3, s2  }
0x8d: {  	s2 =	sadd.s32 s2, s17  }
0x8e: {  	[smem:$0x3FC1] =	sst s2  }
0x8f: {  	_ = 	snop  }
0x90: {  	s2 =	sld [smem:$0x3FC8]  }
0x91: {  	s18 =	sld [smem:$0x3FD0];
	(tm) =	ssettm $0x1  }
0x92: {  	s4 =	sld [smem:$0x3FFB];
	_ =	sdelay $0x3  }
0x93: {  	_ =	strace s4  }
0x94: {  	s4 =	sld [smem:$0x3FFC];
	_ =	sdelay $0x3  }
0x95: {  	_ =	strace s4  }
0x96: {  	s4 =	sld [smem:$0x3FFD];
	_ =	sdelay $0x3  }
0x97: {  	_ =	strace s4  }
0x98: {  	_ =	strace $0x8FFFFFFF  }
0x99: {  	s19 =	sld [smem:$0x3FDB];
	_ =	sdelay $0x1  }
0x9a: {  	s5 =	simm.s32 $_scs_section_size  }
0x9b: {  	s6 =	simm.s32 $_size__tile_overlayer_lowered;
	s7 =	simm.s32 $_tile_overlayer_lowered  }
0x9c: {  	s22 =	simm.s32 $0x1BFF;
	s21 =	sshll.u32 s7, $0x1;
	s4 =	sadd.s32 s5, s19  }
0x9d: {  	s8 =	simm.s32 $0x0;
	s20 =	sshll.u32 s6, $0x1;
	s6 =	sadd.s32 s21, s4  }
0x9e: {  	[timem:s8], [sflag:s22] =	dma.local [hbm:s6], s20  }
0x9f: {  	_ =	swait.ge [sflag:s22], s20  }
0xa0: {  	s5 =	ssub.s32 $0x0, s20;
	[sflag:s22] =	ssyncset.done $0x0  }
0xa1: {  	[sflag:s22] =	ssyncadd.s32 s5;
	_ =	sdelay $0x1  }
0xa2: {  	s23 =	simm.s32 $0x1B8B  }
0xa3: {  	_ =	swait.ge [sflag:s23], $0x1  }
0xa4: {  	[sflag:s23] =	ssyncset.done $0x0  }
0xa5: {  	s25 =	simm.s32 $0x1B8E;
	s24 =	sld [smem:$0x3FFE];
	[sflag:s23] =	ssyncadd.s32 $0xFFFFFFFF  }
0xa6: {  	s26 =	simm.s32 $execute0_lowered;
	[smem:$0x3FD2] =	sst s25  }
0xa7: {  	s6 =	sshll.u32 s26, $0x1;
	_ =	strace $0x80000046;
	[dreg:$0x1] =	wrdreg $0xFFFFFFFF  }
0xa8: {  	s28 =	simm.s32 $_size_execute0_lowered;
	s4 =	sadd.s32 s4, s6;
	[dreg:$0x0] =	wrdreg $0x0  }
0xa9: {  	s6 =	sshll.u32 s28, $0x1;
	[dreg:$0x2] =	wrdreg s4  }
0xaa: {  	[dreg:$0x3] =	wrdreg s6  }
0xab: {  	[dreg:$0x4] =	wrdreg $0xC0  }
0xac: {  	_ =	task [dreg:s8], $0x5FFFF  }
0xad: {  	[dreg:$0x1] =	wrdreg $0xFFFFFFFF  }
0xae: {  	[dreg:$0x0] =	wrdreg $0x60  }
0xaf: {  	[dreg:$0x2] =	wrdreg s2  }
0xb0: {  	[dreg:$0x3] =	wrdreg s24  }
0xb1: {  	[dreg:$0x4] =	wrdreg s18  }
0xb2: {  	[dreg:$0x5] =	wrdreg $0x9  }
0xb3: {  	_ =	task.clear_ibuf [dreg:s8], $0x6FFFF;
	_ =	strace $0x90000046  }
0xb4: {  	s29 =	simm.s32 $0x9;
	_ =	strace $0x80000048  }
0xb5: {  	_ =	swait.ge [sflag:s29], $0x1  }
0xb6: {  	[sflag:s29] =	ssyncadd.s32 $0xFFFFFFFF  }
0xb7: {  	_ =	strace $0x90000048  }
0xb8: {  	_ =	sfence  }
0xb9: {  	s30 =	sld [smem:$0x0];
	_ =	sdelay $0x2  }
0xba: {  	s31 =	sshll.u32 s1, $0xD;
	s1 =	sshrl.u32 s1, $0x2  }
0xbb: {  	s3 =	sand.u32 $0x4000, s31;
	s1 =	sadd.s32 s1, s30  }
0xbc: {  	s0 =	sor.u32 s3, s0;
	s1 =	sshll.u32 s1, $0x11  }
0xbd: {  	s0 =	sor.u32 s1, s0  }
0xbe: {  	s0 =	sadd.s32 $0x8F2B, s0  }
0xbf: {  	[sflag:s0] =	ssyncadd.remote.s32 $0x1  }
0xc0: {  	_ =	sfence.sel $0xFFFF  }
0xc1: {  	[dreg:$0x0] =	wrdreg $0xFFFFFFFF;
	(pc) =	sbr.abs _section_cstart, $3  }
0xc2: {  	[dreg:$0x1] =	wrdreg $0xFFFFFFFF  }
0xc3: {  	_ =	task.clear_ibuf [dreg:s8], $0x2FFFF;
	_ =	strace $0x9FFFFFFF  }
0xc4: {  	(tm) =	ssettm $0x7FFFFFFF  }
0xc5: {  	_ =	shalt  }
tec
execute0_lowered:
.L_overlay_start_1:
0x0: {  	(tag) =	ssettag $0x1  }
0x1: {  	s1 =	rddreg [dreg:$0x0];
	s2 =	srdreg.scid  }
0x2: {  	s4 =	rddreg [dreg:$0x1];
	s0 =	stileid.u32;
	s10 =	sand.u32 $0x1, s2  }
0x3: {  	s11 =	rddreg [dreg:$0x2];
	s5 =	sshll.u32 s0, $0x9;
	s6 =	sshll.u32 s10, $0x8  }
0x4: {  	s3 =	simm.s32 $0x0;
	s2 =	rddreg [dreg:$0x3];
	s9 =	sor.u32 s6, s5  }
0x5: {  	[smem:$0x7FF] =	sst s3;
	s12 =	sadd.s32 $0x1000, s4;
	s28 =	sshrl.u32 s9, $0x3  }
0x6: {  	s4 =	simm.s32 $0x2;
	_ =	strace $0x80000047;
	s5 =	sadd.s32 s12, s28  }
0x7: {  	[tilespmem:s3], [sflag:$0x2] =	stream.linear.gather [hbm4b:s5+s3], $0x80, $0x38;
	[tilespmem:$0x4080] =	vst v63  }
0x8: {  	_ =	swait.ge [sflag:s4], $0x80  }
0x9: {  	[sflag:s4] =	ssyncset.done $0x0  }
0xa: {  	s7 =	simm.s32 $0x1;
	s6 =	simm.s32 $0x80;
	[sflag:s4] =	ssyncadd.s32 $0xFFFFFF80  }
0xb: {  	[tilespmem:s6], [sflag:$0x1] =	stream.indirect.gather [hbm4b:s1+s6], $0x80, s3, s6, $0xb8;
	[tilespmem:$0x4080] =	vst v63  }
0xc: {  	_ =	swait.ge [sflag:s7], $0x4000  }
0xd: {  	s8 =	sshll.u32 s9, $0x4;
	[sflag:s7] =	ssyncset.done $0x0  }
0xe: {  	s8 =	sadd.s32 s11, s8;
	[sflag:s7] =	ssyncadd.s32 $0xFFFFC000  }
0xf: {  	[hbm4b:s8+s3] =	stream.linear.scatter [tilespmem:s6], [sflag:$0x2], $0x4000, $0x38;
	[tilespmem:$0x4080] =	vst v63  }
0x10: {  	s13 =	sor.u32 $0x80, s9;
	_ =	swait.ge [sflag:s4], $0x4000  }
0x11: {  	s9 =	sshrl.u32 s13, $0x3;
	[sflag:s4] =	ssyncset.done $0x0  }
0x12: {  	s10 =	ssub.s32 $0x2, s10;
	s9 =	sadd.s32 s12, s9;
	[sflag:s4] =	ssyncadd.s32 $0xFFFFC000  }
0x13: {  	[tilespmem:s3], [sflag:$0x2] =	stream.linear.gather [hbm4b:s9+s3], $0x80, $0x38;
	[tilespmem:$0x4080] =	vst v63  }
0x14: {  	s29 =	sshrl.u32 s10, $0x1;
	_ =	swait.ge [sflag:s4], $0x80  }
0x15: {  	s12 =	ssub.s32 s10, s29;
	[sflag:s4] =	ssyncset.done $0x0  }
0x16: {  	s31 =	smax.u32 s12, $0x1;
	[sflag:s4] =	ssyncadd.s32 $0xFFFFFF80  }
0x17: {  	[tilespmem:s6], [sflag:$0x1] =	stream.indirect.gather [hbm4b:s1+s6], $0x80, s3, s6, $0xb8;
	[tilespmem:$0x4080] =	vst v63  }
0x18: {  	p0 =	sne.s32 s31, $0x1;
	_ =	swait.ge [sflag:s7], $0x4000  }
.Ltmp0:
0x19: {  	s30 =	sshll.u32 s13, $0x4;
	[sflag:s7] =	ssyncset.done $0x0;
	(pc) =	sbr.rel @!p0 .LBB2_2-.Ltmp0, $4  }
0x1a: {  	s10 =	sadd.s32 s11, s30;
	[sflag:s7] =	ssyncadd.s32 $0xFFFFC000  }
0x1b: {  	[hbm4b:s10+s3] =	stream.linear.scatter [tilespmem:s6], [sflag:$0x2], $0x4000, $0x38;
	[tilespmem:$0x4080] =	vst v63  }
0x1c: {  	_ =	swait.ge [sflag:s4], $0x4000  }
0x1d: {  	s11 =	sadd.s32 $0xFFFFFFFF, s31;
	[sflag:s4] =	ssyncset.done $0x0  }
.LBB2_1:
0x1e: {  	p0 =	sne.s32 s11, $0x1;
	s11 =	sadd.s32 $0xFFFFFFFF, s11;
	[sflag:s4] =	ssyncadd.s32 $0xFFFFC000  }
0x1f: {  	[tilespmem:s3], [sflag:$0x2] =	stream.linear.gather [hbm4b:s5+s3], $0x80, $0x38;
	[tilespmem:$0x4080] =	vst v63  }
0x20: {  	_ =	swait.ge [sflag:s4], $0x80  }
0x21: {  	[sflag:s4] =	ssyncset.done $0x0  }
0x22: {  	[sflag:s4] =	ssyncadd.s32 $0xFFFFFF80  }
0x23: {  	[tilespmem:s6], [sflag:$0x1] =	stream.indirect.gather [hbm4b:s1+s6], $0x80, s3, s6, $0xb8;
	[tilespmem:$0x4080] =	vst v63  }
0x24: {  	_ =	swait.ge [sflag:s7], $0x4000  }
0x25: {  	[sflag:s7] =	ssyncset.done $0x0  }
0x26: {  	[sflag:s7] =	ssyncadd.s32 $0xFFFFC000  }
0x27: {  	[hbm4b:s8+s3] =	stream.linear.scatter [tilespmem:s6], [sflag:$0x2], $0x4000, $0x38;
	[tilespmem:$0x4080] =	vst v63  }
0x28: {  	_ =	swait.ge [sflag:s4], $0x4000  }
0x29: {  	[sflag:s4] =	ssyncset.done $0x0  }
0x2a: {  	[sflag:s4] =	ssyncadd.s32 $0xFFFFC000  }
0x2b: {  	[tilespmem:s3], [sflag:$0x2] =	stream.linear.gather [hbm4b:s9+s3], $0x80, $0x38;
	[tilespmem:$0x4080] =	vst v63  }
0x2c: {  	_ =	swait.ge [sflag:s4], $0x80  }
0x2d: {  	[sflag:s4] =	ssyncset.done $0x0  }
0x2e: {  	[sflag:s4] =	ssyncadd.s32 $0xFFFFFF80  }
0x2f: {  	[tilespmem:s6], [sflag:$0x1] =	stream.indirect.gather [hbm4b:s1+s6], $0x80, s3, s6, $0xb8;
	[tilespmem:$0x4080] =	vst v63  }
0x30: {  	_ =	swait.ge [sflag:s7], $0x4000  }
.Ltmp1:
0x31: {  	[sflag:s7] =	ssyncset.done $0x0;
	(pc) =	sbr.rel @p0 .LBB2_1-.Ltmp1, $4  }
0x32: {  	[sflag:s7] =	ssyncadd.s32 $0xFFFFC000  }
0x33: {  	[hbm4b:s10+s3] =	stream.linear.scatter [tilespmem:s6], [sflag:$0x2], $0x4000, $0x38;
	[tilespmem:$0x4080] =	vst v63  }
0x34: {  	_ =	swait.ge [sflag:s4], $0x4000  }
0x35: {  	[sflag:s4] =	ssyncset.done $0x0  }
.LBB2_2:
0x36: {  	[sflag:s4] =	ssyncadd.s32 $0xFFFFC000  }
0x37: {  	_ =	sfence.sel $0x180000  }
0x38: {  	[bflag:$0x0] =	sbarrier.arrive $0xFFFF  }
0x39: {  	p0 =	sne.s32 s0, $0x0;
	_ =	strace $0x90000047  }
0x3a: {  	s0 =	sadd.s32 @!p0 $0x100000, s2;
	[bflag:$0x2] =	sbarrier.arrive $0xFFFF  }
0x3b: {  	[sflag:s0] =	ssyncadd.tile.s32 @!p0 $0x1;
	_ =	shalt  }
.Lfunc_end2:
_tile_overlayer_lowered:
.L_overlay_start_2:
0x3c: {  	(tag) =	ssettag $0x2  }
0x3d: {  	s0 =	rddreg [dreg:$0x0];
	s2 =	stileid.u32  }
0x3e: {  	s1 =	rddreg [dreg:$0x1];
	p0 =	sne.s32 s2, $0x0  }
0x3f: {  	s3 =	rddreg [dreg:$0x2];
	[bflag:$0x3] =	sbarrier.arrive $0xFFFF;
	s2 =	simm.s32 @!p0 $0x1C02  }
0x40: {  	[timem:s3], [sflag:s2] =	dma.local @!p0 [hbm:s0], s1  }
0x41: {  	s0 =	simm.s32 @!p0 $0x2  }
0x42: {  	_ =	swait.ge @!p0 [sflag:s0], s1  }
0x43: {  	s1 =	ssub.s32 @!p0 $0x0, s1;
	[sflag:s0] =	ssyncset.done @!p0 $0x0  }
0x44: {  	[sflag:s0] =	ssyncadd.s32 @!p0 s1  }
0x45: {  	[bflag:$0x3] =	sbarrier.arrive $0xFFFF  }
0x46: {  	_ =	shalt  }

</sc_bundles>
